<compile_context>
chip_gen: v7x
topology: tpu7x:2x2x1
jax: 0.10.2.dev20260603
libtpu: 0.0.44.dev20260713+nightly
codegen_flags: <defaults>
</compile_context>

<pallas_src>
import functools

import jax
import jax.numpy as jnp
from jax import lax
from jax.experimental import pallas as pl
from jax.experimental.pallas import tpu as pltpu
from jax.experimental.pallas import tpu_sc as plsc

_B = 64
_N = 100000
_K = 3
_J = 64
_T = 128


def _make_sc_gather():
    info = plsc.get_sparse_core_info()
    nc, ns, nl = info.num_cores, info.num_subcores, info.num_lanes
    bps = _B // nc
    jpw = _J // ns
    ng = (bps * _K) // nl

    mesh = plsc.VectorSubcoreMesh(core_axis_name="c", subcore_axis_name="s")

    @functools.partial(
        pl.kernel,
        mesh=mesh,
        compiler_params=pltpu.CompilerParams(needs_layout_passes=False),
        out_type=jax.ShapeDtypeStruct((_B, ns, jpw * _K), jnp.float32),
        scratch_types=[
            pltpu.VMEM((_J,), jnp.int32),
            pltpu.VMEM((jpw, _K, bps, _T), jnp.float32),
            pltpu.VMEM((bps, 1, jpw * _K), jnp.float32),
            pltpu.SemaphoreType.DMA,
        ],
    )
    def sc_gather(pos_hbm, idx_hbm, out_hbm, idx_vm, win_v, slab_v, sem):
        sc = lax.axis_index("c")
        s = lax.axis_index("s")
        b0 = sc * bps
        pltpu.sync_copy(idx_hbm, idx_vm)
        offs = []
        copies = []
        for t in range(jpw):
            j = s * jpw + t
            lanes = jnp.full((nl,), j, dtype=jnp.int32)
            idx_j = jnp.max(plsc.load_gather(idx_vm, [lanes]))
            c0 = pl.multiple_of((idx_j // _T) * _T, _T)
            offs.append(idx_j - c0)
            cp = pltpu.make_async_copy(
                pos_hbm.at[:, pl.ds(b0, bps), pl.ds(c0, _T)], win_v.at[t], sem
            )
            cp.start()
            copies.append(cp)
        for cp in copies:
            cp.wait()
        for t in range(jpw):
            d = offs[t]
            for g in range(ng):
                e = lax.iota(jnp.int32, nl) + g * nl
                b_vec = e // _K
                k_vec = e % _K
                vals = plsc.load_gather(
                    win_v.at[t], [k_vec, b_vec, jnp.full((nl,), d, jnp.int32)]
                )
                plsc.store_scatter(
                    slab_v, [b_vec, jnp.zeros((nl,), jnp.int32), k_vec + t * _K], vals
                )
        pltpu.sync_copy(slab_v, out_hbm.at[pl.ds(b0, bps), pl.ds(s, 1), :])

    return sc_gather


_sc_gather = _make_sc_gather()


@jax.jit
def kernel(pos, idx):
    pos_t = jnp.transpose(pos, (2, 0, 1))
    idx32 = idx.astype(jnp.int32)
    out3 = _sc_gather(pos_t, idx32)
    return out3.reshape(_B, _J * _K)

# --- scband reference (transcript-rebuilt; emitter-appended) ---
"""Pipeline reference for scband-fix-14817637171696 (READ-ONLY COPY).

The authoritative reference and input builder live on the scoring server;
editing this copy changes nothing except your own understanding.
"""

import jax, jax.numpy as jnp
import numpy as np

IDX = np.array([i * 1000 for i in range(64)], dtype=np.int64)


def setup_inputs(seed: int = 0) -> dict:
    key = jax.random.key(seed)
    pos = jax.random.normal(key, (64, 100000, 3), dtype=jnp.float32)
    idx = jnp.asarray(IDX)
    return {"pos": pos, "idx": idx}


def reference(pos, idx):
    # Faithful translation of Fix.forward: inp['pos'][:, idx, :].flatten(1)
    ret = jnp.take(pos, idx, axis=1)  # [B, len(idx), 3] gather
    ret = ret.reshape(pos.shape[0], -1)  # flatten(1) -> [B, len(idx)*3]
    # assert ret.shape[1] == len(idx)*3 (pbc size check in original)
    assert ret.shape[1] == idx.shape[0] * 3
    return ret

if __name__ == "__main__":
    import jax
    _d = setup_inputs()
    print(jax.jit(kernel)(*tuple(_d.values())))

</pallas_src>

<mosaic_0001>
#map = affine_map<(d0, d1) -> (0, 0, 0)>
#map1 = affine_map<(d0, d1) -> (0)>
module attributes {stable_mosaic.version = 14 : i64} {
  func.func @sc_gather(%arg0: i32, %arg1: i32, %arg2: memref<3x64x100000xf32, #tpu.memory_space<hbm>>, %arg3: memref<64xi32, #tpu.memory_space<hbm>>, %arg4: memref<64x16x12xf32, #tpu.memory_space<hbm>>, %arg5: memref<64xi32, #tpu.memory_space<vmem>>, %arg6: memref<4x3x32x128xf32, #tpu.memory_space<vmem>>, %arg7: memref<32x1x12xf32, #tpu.memory_space<vmem>>, %arg8: memref<!tpu.dma_semaphore, #tpu.memory_space<semaphore_mem>>) attributes {dimension_semantics = [#tpu.dimension_semantics<core_parallel>, #tpu.dimension_semantics<subcore_parallel>], iteration_bounds = array<i64: 2, 16>, scalar_prefetch = 0 : i64, scratch_operands = 4 : i64, tpu.core_type = #tpu.core_type<sc_vector_subcore>, window_params = [{transform_indices = #map}, {transform_indices = #map1}, {transform_indices = #map}]} {
    %mul3A = arith.constant 32 : i32
    %mul3A_0 = arith.muli %arg0, %mul3A : i32
    "tpu.region"() ({
      %run_scoped3A = tpu.sem_alloc : memref<!tpu.dma_semaphore, #tpu.memory_space<semaphore_mem>>
      tpu.enqueue_dma source(%arg3 : memref<64xi32, #tpu.memory_space<hbm>>) target(%arg5 : memref<64xi32, #tpu.memory_space<vmem>>) target_semaphore(%run_scoped3A : memref<!tpu.dma_semaphore, #tpu.memory_space<semaphore_mem>>)
      tpu.wait_dma2 semaphore(%run_scoped3A : memref<!tpu.dma_semaphore, #tpu.memory_space<semaphore_mem>>) src(%arg3 : memref<64xi32, #tpu.memory_space<hbm>>) dst(%arg5 : memref<64xi32, #tpu.memory_space<vmem>>)
      tpu.yield
    }) : () -> ()
    %mul3A_1 = arith.constant 4 : i32
    %mul3A_2 = arith.muli %arg1, %mul3A_1 : i32
    %add3A = arith.constant 0 : i32
    %add3A_3 = arith.addi %mul3A_2, %add3A : i32
    %broadcast_in_dim3A = vector.broadcast %add3A_3 : i32 to vector<16xi32>
    %gather3A = tpu.vector_load_idx %arg5[%broadcast_in_dim3A] : memref<64xi32, #tpu.memory_space<vmem>>[vector<16xi32>], vector<16xi32>,
    %reduce_max3A = arith.constant true
    %reduce_max3A_4 = vector.broadcast %reduce_max3A : i1 to vector<16xi1>
    %reduce_max3A_5 = arith.constant -2147483648 : i32
    %reduce_max3A_6 = vector.broadcast %reduce_max3A_5 : i32 to vector<16xi32>
    %reduce_max3A_7 = arith.xori %gather3A, %reduce_max3A_6 : vector<16xi32>
    %reduce_max3A_8 = tpu.scan <max>, %reduce_max3A_7 masked %reduce_max3A_4 : vector<16xi32>, vector<16xi1> -> vector<16xi32>
    %reduce_max3A_9 = arith.xori %reduce_max3A_8, %reduce_max3A_6 : vector<16xi32>
    %reduce_max3A_10 = vector.extract %reduce_max3A_9[15] : i32 from vector<16xi32>
    %jit3A = arith.constant 128 : i32
    %div3A = arith.divsi %reduce_max3A_10, %jit3A : i32
    %sign3A = arith.constant 0 : i32
    %sign3A_11 = arith.cmpi sgt, %reduce_max3A_10, %sign3A : i32
    %sign3A_12 = arith.extui %sign3A_11 : i1 to i32
    %sign3A_13 = arith.constant 0 : i32
    %sign3A_14 = arith.cmpi slt, %reduce_max3A_10, %sign3A_13 : i32
    %sign3A_15 = arith.extui %sign3A_14 : i1 to i32
    %sign3A_16 = arith.subi %sign3A_12, %sign3A_15 : i32
    %sign3A_17 = arith.constant 0 : i32
    %sign3A_18 = arith.cmpi sgt, %jit3A, %sign3A_17 : i32
    %sign3A_19 = arith.extui %sign3A_18 : i1 to i32
    %sign3A_20 = arith.constant 0 : i32
    %sign3A_21 = arith.cmpi slt, %jit3A, %sign3A_20 : i32
    %sign3A_22 = arith.extui %sign3A_21 : i1 to i32
    %sign3A_23 = arith.subi %sign3A_19, %sign3A_22 : i32
    %ne3A = arith.cmpi ne, %sign3A_16, %sign3A_23 : i32
    %rem3A = arith.remsi %reduce_max3A_10, %jit3A : i32
    %ne3A_24 = arith.constant 0 : i32
    %ne3A_25 = arith.cmpi ne, %rem3A, %ne3A_24 : i32
    %and3A = arith.andi %ne3A, %ne3A_25 : i1
    %sub3A = arith.constant 1 : i32
    %sub3A_26 = arith.subi %div3A, %sub3A : i32
    %select_n3A = arith.select %and3A, %sub3A_26, %div3A : i32
    %mul3A_27 = arith.constant 128 : i32
    %mul3A_28 = arith.muli %select_n3A, %mul3A_27 : i32
    %multiple_of3A = tpu.assume_multiple %mul3A_28, 128 : i32
    %sub3A_29 = arith.subi %reduce_max3A_10, %multiple_of3A : i32
    %dma_start3A = arith.constant 0 : i32
    %dma_start3A_30 = arith.constant 0 : i32
    %dma_start3A_31 = arith.constant 0 : i32
    %dma_start3A_32 = arith.constant 0 : i32
    %dma_start3A_33 = tpu.memref_slice %arg6[%dma_start3A, %dma_start3A_30, %dma_start3A_31, %dma_start3A_32] : memref<4x3x32x128xf32, #tpu.memory_space<vmem>> -> memref<1x3x32x128xf32, #tpu.memory_space<vmem>>
    %dma_start3A_34 = tpu.memref_squeeze %dma_start3A_33 : memref<1x3x32x128xf32, #tpu.memory_space<vmem>> -> memref<3x32x128xf32, #tpu.memory_space<vmem>>
    %dma_start3A_35 = arith.constant 0 : i32
    %dma_start3A_36 = tpu.memref_slice %arg2[%dma_start3A_35, %mul3A_0, %multiple_of3A] : memref<3x64x100000xf32, #tpu.memory_space<hbm>> -> memref<3x32x128xf32, #tpu.memory_space<hbm>>
    %dma_start3A_37 = arith.constant 0 : i32
    %dma_start3A_38 = arith.constant 0 : i32
    %dma_start3A_39 = arith.constant 0 : i32
    %dma_start3A_40 = tpu.memref_slice %arg6[%dma_start3A, %dma_start3A_37, %dma_start3A_38, %dma_start3A_39] : memref<4x3x32x128xf32, #tpu.memory_space<vmem>> -> memref<1x3x32x128xf32, #tpu.memory_space<vmem>>
    %dma_start3A_41 = tpu.memref_squeeze %dma_start3A_40 : memref<1x3x32x128xf32, #tpu.memory_space<vmem>> -> memref<3x32x128xf32, #tpu.memory_space<vmem>>
    %dma_start3A_42 = arith.constant 0 : i32
    %dma_start3A_43 = tpu.memref_slice %arg2[%dma_start3A_42, %mul3A_0, %multiple_of3A] : memref<3x64x100000xf32, #tpu.memory_space<hbm>> -> memref<3x32x128xf32, #tpu.memory_space<hbm>>
    tpu.enqueue_dma source(%dma_start3A_43 : memref<3x32x128xf32, #tpu.memory_space<hbm>>) target(%dma_start3A_41 : memref<3x32x128xf32, #tpu.memory_space<vmem>>) target_semaphore(%arg8 : memref<!tpu.dma_semaphore, #tpu.memory_space<semaphore_mem>>)
    %mul3A_44 = arith.constant 4 : i32
    %mul3A_45 = arith.muli %arg1, %mul3A_44 : i32
    %add3A_46 = arith.constant 1 : i32
    %add3A_47 = arith.addi %mul3A_45, %add3A_46 : i32
    %broadcast_in_dim3A_48 = vector.broadcast %add3A_47 : i32 to vector<16xi32>
    %gather3A_49 = tpu.vector_load_idx %arg5[%broadcast_in_dim3A_48] : memref<64xi32, #tpu.memory_space<vmem>>[vector<16xi32>], vector<16xi32>,
    %reduce_max3A_50 = arith.constant true
    %reduce_max3A_51 = vector.broadcast %reduce_max3A_50 : i1 to vector<16xi1>
    %reduce_max3A_52 = arith.constant -2147483648 : i32
    %reduce_max3A_53 = vector.broadcast %reduce_max3A_52 : i32 to vector<16xi32>
    %reduce_max3A_54 = arith.xori %gather3A_49, %reduce_max3A_53 : vector<16xi32>
    %reduce_max3A_55 = tpu.scan <max>, %reduce_max3A_54 masked %reduce_max3A_51 : vector<16xi32>, vector<16xi1> -> vector<16xi32>
    %reduce_max3A_56 = arith.xori %reduce_max3A_55, %reduce_max3A_53 : vector<16xi32>
    %reduce_max3A_57 = vector.extract %reduce_max3A_56[15] : i32 from vector<16xi32>
    %jit3A_58 = arith.constant 128 : i32
    %div3A_59 = arith.divsi %reduce_max3A_57, %jit3A_58 : i32
    %sign3A_60 = arith.constant 0 : i32
    %sign3A_61 = arith.cmpi sgt, %reduce_max3A_57, %sign3A_60 : i32
    %sign3A_62 = arith.extui %sign3A_61 : i1 to i32
    %sign3A_63 = arith.constant 0 : i32
    %sign3A_64 = arith.cmpi slt, %reduce_max3A_57, %sign3A_63 : i32
    %sign3A_65 = arith.extui %sign3A_64 : i1 to i32
    %sign3A_66 = arith.subi %sign3A_62, %sign3A_65 : i32
    %sign3A_67 = arith.constant 0 : i32
    %sign3A_68 = arith.cmpi sgt, %jit3A_58, %sign3A_67 : i32
    %sign3A_69 = arith.extui %sign3A_68 : i1 to i32
    %sign3A_70 = arith.constant 0 : i32
    %sign3A_71 = arith.cmpi slt, %jit3A_58, %sign3A_70 : i32
    %sign3A_72 = arith.extui %sign3A_71 : i1 to i32
    %sign3A_73 = arith.subi %sign3A_69, %sign3A_72 : i32
    %ne3A_74 = arith.cmpi ne, %sign3A_66, %sign3A_73 : i32
    %rem3A_75 = arith.remsi %reduce_max3A_57, %jit3A_58 : i32
    %ne3A_76 = arith.constant 0 : i32
    %ne3A_77 = arith.cmpi ne, %rem3A_75, %ne3A_76 : i32
    %and3A_78 = arith.andi %ne3A_74, %ne3A_77 : i1
    %sub3A_79 = arith.constant 1 : i32
    %sub3A_80 = arith.subi %div3A_59, %sub3A_79 : i32
    %select_n3A_81 = arith.select %and3A_78, %sub3A_80, %div3A_59 : i32
    %mul3A_82 = arith.constant 128 : i32
    %mul3A_83 = arith.muli %select_n3A_81, %mul3A_82 : i32
    %multiple_of3A_84 = tpu.assume_multiple %mul3A_83, 128 : i32
    %sub3A_85 = arith.subi %reduce_max3A_57, %multiple_of3A_84 : i32
    %dma_start3A_86 = arith.constant 1 : i32
    %dma_start3A_87 = arith.constant 0 : i32
    %dma_start3A_88 = arith.constant 0 : i32
    %dma_start3A_89 = arith.constant 0 : i32
    %dma_start3A_90 = tpu.memref_slice %arg6[%dma_start3A_86, %dma_start3A_87, %dma_start3A_88, %dma_start3A_89] : memref<4x3x32x128xf32, #tpu.memory_space<vmem>> -> memref<1x3x32x128xf32, #tpu.memory_space<vmem>>
    %dma_start3A_91 = tpu.memref_squeeze %dma_start3A_90 : memref<1x3x32x128xf32, #tpu.memory_space<vmem>> -> memref<3x32x128xf32, #tpu.memory_space<vmem>>
    %dma_start3A_92 = arith.constant 0 : i32
    %dma_start3A_93 = tpu.memref_slice %arg2[%dma_start3A_92, %mul3A_0, %multiple_of3A_84] : memref<3x64x100000xf32, #tpu.memory_space<hbm>> -> memref<3x32x128xf32, #tpu.memory_space<hbm>>
    %dma_start3A_94 = arith.constant 0 : i32
    %dma_start3A_95 = arith.constant 0 : i32
    %dma_start3A_96 = arith.constant 0 : i32
    %dma_start3A_97 = tpu.memref_slice %arg6[%dma_start3A_86, %dma_start3A_94, %dma_start3A_95, %dma_start3A_96] : memref<4x3x32x128xf32, #tpu.memory_space<vmem>> -> memref<1x3x32x128xf32, #tpu.memory_space<vmem>>
    %dma_start3A_98 = tpu.memref_squeeze %dma_start3A_97 : memref<1x3x32x128xf32, #tpu.memory_space<vmem>> -> memref<3x32x128xf32, #tpu.memory_space<vmem>>
    %dma_start3A_99 = arith.constant 0 : i32
    %dma_start3A_100 = tpu.memref_slice %arg2[%dma_start3A_99, %mul3A_0, %multiple_of3A_84] : memref<3x64x100000xf32, #tpu.memory_space<hbm>> -> memref<3x32x128xf32, #tpu.memory_space<hbm>>
    tpu.enqueue_dma source(%dma_start3A_100 : memref<3x32x128xf32, #tpu.memory_space<hbm>>) target(%dma_start3A_98 : memref<3x32x128xf32, #tpu.memory_space<vmem>>) target_semaphore(%arg8 : memref<!tpu.dma_semaphore, #tpu.memory_space<semaphore_mem>>)
    %mul3A_101 = arith.constant 4 : i32
    %mul3A_102 = arith.muli %arg1, %mul3A_101 : i32
    %add3A_103 = arith.constant 2 : i32
    %add3A_104 = arith.addi %mul3A_102, %add3A_103 : i32
    %broadcast_in_dim3A_105 = vector.broadcast %add3A_104 : i32 to vector<16xi32>
    %gather3A_106 = tpu.vector_load_idx %arg5[%broadcast_in_dim3A_105] : memref<64xi32, #tpu.memory_space<vmem>>[vector<16xi32>], vector<16xi32>,
    %reduce_max3A_107 = arith.constant true
    %reduce_max3A_108 = vector.broadcast %reduce_max3A_107 : i1 to vector<16xi1>
    %reduce_max3A_109 = arith.constant -2147483648 : i32
    %reduce_max3A_110 = vector.broadcast %reduce_max3A_109 : i32 to vector<16xi32>
    %reduce_max3A_111 = arith.xori %gather3A_106, %reduce_max3A_110 : vector<16xi32>
    %reduce_max3A_112 = tpu.scan <max>, %reduce_max3A_111 masked %reduce_max3A_108 : vector<16xi32>, vector<16xi1> -> vector<16xi32>
    %reduce_max3A_113 = arith.xori %reduce_max3A_112, %reduce_max3A_110 : vector<16xi32>
    %reduce_max3A_114 = vector.extract %reduce_max3A_113[15] : i32 from vector<16xi32>
    %jit3A_115 = arith.constant 128 : i32
    %div3A_116 = arith.divsi %reduce_max3A_114, %jit3A_115 : i32
    %sign3A_117 = arith.constant 0 : i32
    %sign3A_118 = arith.cmpi sgt, %reduce_max3A_114, %sign3A_117 : i32
    %sign3A_119 = arith.extui %sign3A_118 : i1 to i32
    %sign3A_120 = arith.constant 0 : i32
    %sign3A_121 = arith.cmpi slt, %reduce_max3A_114, %sign3A_120 : i32
    %sign3A_122 = arith.extui %sign3A_121 : i1 to i32
    %sign3A_123 = arith.subi %sign3A_119, %sign3A_122 : i32
    %sign3A_124 = arith.constant 0 : i32
    %sign3A_125 = arith.cmpi sgt, %jit3A_115, %sign3A_124 : i32
    %sign3A_126 = arith.extui %sign3A_125 : i1 to i32
    %sign3A_127 = arith.constant 0 : i32
    %sign3A_128 = arith.cmpi slt, %jit3A_115, %sign3A_127 : i32
    %sign3A_129 = arith.extui %sign3A_128 : i1 to i32
    %sign3A_130 = arith.subi %sign3A_126, %sign3A_129 : i32
    %ne3A_131 = arith.cmpi ne, %sign3A_123, %sign3A_130 : i32
    %rem3A_132 = arith.remsi %reduce_max3A_114, %jit3A_115 : i32
    %ne3A_133 = arith.constant 0 : i32
    %ne3A_134 = arith.cmpi ne, %rem3A_132, %ne3A_133 : i32
    %and3A_135 = arith.andi %ne3A_131, %ne3A_134 : i1
    %sub3A_136 = arith.constant 1 : i32
    %sub3A_137 = arith.subi %div3A_116, %sub3A_136 : i32
    %select_n3A_138 = arith.select %and3A_135, %sub3A_137, %div3A_116 : i32
    %mul3A_139 = arith.constant 128 : i32
    %mul3A_140 = arith.muli %select_n3A_138, %mul3A_139 : i32
    %multiple_of3A_141 = tpu.assume_multiple %mul3A_140, 128 : i32
    %sub3A_142 = arith.subi %reduce_max3A_114, %multiple_of3A_141 : i32
    %dma_start3A_143 = arith.constant 2 : i32
    %dma_start3A_144 = arith.constant 0 : i32
    %dma_start3A_145 = arith.constant 0 : i32
    %dma_start3A_146 = arith.constant 0 : i32
    %dma_start3A_147 = tpu.memref_slice %arg6[%dma_start3A_143, %dma_start3A_144, %dma_start3A_145, %dma_start3A_146] : memref<4x3x32x128xf32, #tpu.memory_space<vmem>> -> memref<1x3x32x128xf32, #tpu.memory_space<vmem>>
    %dma_start3A_148 = tpu.memref_squeeze %dma_start3A_147 : memref<1x3x32x128xf32, #tpu.memory_space<vmem>> -> memref<3x32x128xf32, #tpu.memory_space<vmem>>
    %dma_start3A_149 = arith.constant 0 : i32
    %dma_start3A_150 = tpu.memref_slice %arg2[%dma_start3A_149, %mul3A_0, %multiple_of3A_141] : memref<3x64x100000xf32, #tpu.memory_space<hbm>> -> memref<3x32x128xf32, #tpu.memory_space<hbm>>
    %dma_start3A_151 = arith.constant 0 : i32
    %dma_start3A_152 = arith.constant 0 : i32
    %dma_start3A_153 = arith.constant 0 : i32
    %dma_start3A_154 = tpu.memref_slice %arg6[%dma_start3A_143, %dma_start3A_151, %dma_start3A_152, %dma_start3A_153] : memref<4x3x32x128xf32, #tpu.memory_space<vmem>> -> memref<1x3x32x128xf32, #tpu.memory_space<vmem>>
    %dma_start3A_155 = tpu.memref_squeeze %dma_start3A_154 : memref<1x3x32x128xf32, #tpu.memory_space<vmem>> -> memref<3x32x128xf32, #tpu.memory_space<vmem>>
    %dma_start3A_156 = arith.constant 0 : i32
    %dma_start3A_157 = tpu.memref_slice %arg2[%dma_start3A_156, %mul3A_0, %multiple_of3A_141] : memref<3x64x100000xf32, #tpu.memory_space<hbm>> -> memref<3x32x128xf32, #tpu.memory_space<hbm>>
    tpu.enqueue_dma source(%dma_start3A_157 : memref<3x32x128xf32, #tpu.memory_space<hbm>>) target(%dma_start3A_155 : memref<3x32x128xf32, #tpu.memory_space<vmem>>) target_semaphore(%arg8 : memref<!tpu.dma_semaphore, #tpu.memory_space<semaphore_mem>>)
    %mul3A_158 = arith.constant 4 : i32
    %mul3A_159 = arith.muli %arg1, %mul3A_158 : i32
    %add3A_160 = arith.constant 3 : i32
    %add3A_161 = arith.addi %mul3A_159, %add3A_160 : i32
    %broadcast_in_dim3A_162 = vector.broadcast %add3A_161 : i32 to vector<16xi32>
    %gather3A_163 = tpu.vector_load_idx %arg5[%broadcast_in_dim3A_162] : memref<64xi32, #tpu.memory_space<vmem>>[vector<16xi32>], vector<16xi32>,
    %reduce_max3A_164 = arith.constant true
    %reduce_max3A_165 = vector.broadcast %reduce_max3A_164 : i1 to vector<16xi1>
    %reduce_max3A_166 = arith.constant -2147483648 : i32
    %reduce_max3A_167 = vector.broadcast %reduce_max3A_166 : i32 to vector<16xi32>
    %reduce_max3A_168 = arith.xori %gather3A_163, %reduce_max3A_167 : vector<16xi32>
    %reduce_max3A_169 = tpu.scan <max>, %reduce_max3A_168 masked %reduce_max3A_165 : vector<16xi32>, vector<16xi1> -> vector<16xi32>
    %reduce_max3A_170 = arith.xori %reduce_max3A_169, %reduce_max3A_167 : vector<16xi32>
    %reduce_max3A_171 = vector.extract %reduce_max3A_170[15] : i32 from vector<16xi32>
    %jit3A_172 = arith.constant 128 : i32
    %div3A_173 = arith.divsi %reduce_max3A_171, %jit3A_172 : i32
    %sign3A_174 = arith.constant 0 : i32
    %sign3A_175 = arith.cmpi sgt, %reduce_max3A_171, %sign3A_174 : i32
    %sign3A_176 = arith.extui %sign3A_175 : i1 to i32
    %sign3A_177 = arith.constant 0 : i32
    %sign3A_178 = arith.cmpi slt, %reduce_max3A_171, %sign3A_177 : i32
    %sign3A_179 = arith.extui %sign3A_178 : i1 to i32
    %sign3A_180 = arith.subi %sign3A_176, %sign3A_179 : i32
    %sign3A_181 = arith.constant 0 : i32
    %sign3A_182 = arith.cmpi sgt, %jit3A_172, %sign3A_181 : i32
    %sign3A_183 = arith.extui %sign3A_182 : i1 to i32
    %sign3A_184 = arith.constant 0 : i32
    %sign3A_185 = arith.cmpi slt, %jit3A_172, %sign3A_184 : i32
    %sign3A_186 = arith.extui %sign3A_185 : i1 to i32
    %sign3A_187 = arith.subi %sign3A_183, %sign3A_186 : i32
    %ne3A_188 = arith.cmpi ne, %sign3A_180, %sign3A_187 : i32
    %rem3A_189 = arith.remsi %reduce_max3A_171, %jit3A_172 : i32
    %ne3A_190 = arith.constant 0 : i32
    %ne3A_191 = arith.cmpi ne, %rem3A_189, %ne3A_190 : i32
    %and3A_192 = arith.andi %ne3A_188, %ne3A_191 : i1
    %sub3A_193 = arith.constant 1 : i32
    %sub3A_194 = arith.subi %div3A_173, %sub3A_193 : i32
    %select_n3A_195 = arith.select %and3A_192, %sub3A_194, %div3A_173 : i32
    %mul3A_196 = arith.constant 128 : i32
    %mul3A_197 = arith.muli %select_n3A_195, %mul3A_196 : i32
    %multiple_of3A_198 = tpu.assume_multiple %mul3A_197, 128 : i32
    %sub3A_199 = arith.subi %reduce_max3A_171, %multiple_of3A_198 : i32
    %dma_start3A_200 = arith.constant 3 : i32
    %dma_start3A_201 = arith.constant 0 : i32
    %dma_start3A_202 = arith.constant 0 : i32
    %dma_start3A_203 = arith.constant 0 : i32
    %dma_start3A_204 = tpu.memref_slice %arg6[%dma_start3A_200, %dma_start3A_201, %dma_start3A_202, %dma_start3A_203] : memref<4x3x32x128xf32, #tpu.memory_space<vmem>> -> memref<1x3x32x128xf32, #tpu.memory_space<vmem>>
    %dma_start3A_205 = tpu.memref_squeeze %dma_start3A_204 : memref<1x3x32x128xf32, #tpu.memory_space<vmem>> -> memref<3x32x128xf32, #tpu.memory_space<vmem>>
    %dma_start3A_206 = arith.constant 0 : i32
    %dma_start3A_207 = tpu.memref_slice %arg2[%dma_start3A_206, %mul3A_0, %multiple_of3A_198] : memref<3x64x100000xf32, #tpu.memory_space<hbm>> -> memref<3x32x128xf32, #tpu.memory_space<hbm>>
    %dma_start3A_208 = arith.constant 0 : i32
    %dma_start3A_209 = arith.constant 0 : i32
    %dma_start3A_210 = arith.constant 0 : i32
    %dma_start3A_211 = tpu.memref_slice %arg6[%dma_start3A_200, %dma_start3A_208, %dma_start3A_209, %dma_start3A_210] : memref<4x3x32x128xf32, #tpu.memory_space<vmem>> -> memref<1x3x32x128xf32, #tpu.memory_space<vmem>>
    %dma_start3A_212 = tpu.memref_squeeze %dma_start3A_211 : memref<1x3x32x128xf32, #tpu.memory_space<vmem>> -> memref<3x32x128xf32, #tpu.memory_space<vmem>>
    %dma_start3A_213 = arith.constant 0 : i32
    %dma_start3A_214 = tpu.memref_slice %arg2[%dma_start3A_213, %mul3A_0, %multiple_of3A_198] : memref<3x64x100000xf32, #tpu.memory_space<hbm>> -> memref<3x32x128xf32, #tpu.memory_space<hbm>>
    tpu.enqueue_dma source(%dma_start3A_214 : memref<3x32x128xf32, #tpu.memory_space<hbm>>) target(%dma_start3A_212 : memref<3x32x128xf32, #tpu.memory_space<vmem>>) target_semaphore(%arg8 : memref<!tpu.dma_semaphore, #tpu.memory_space<semaphore_mem>>)
    %dma_wait3A = arith.constant 0 : i32
    %dma_wait3A_215 = arith.constant 0 : i32
    %dma_wait3A_216 = arith.constant 0 : i32
    %dma_wait3A_217 = arith.constant 0 : i32
    %dma_wait3A_218 = tpu.memref_slice %arg6[%dma_wait3A, %dma_wait3A_215, %dma_wait3A_216, %dma_wait3A_217] : memref<4x3x32x128xf32, #tpu.memory_space<vmem>> -> memref<1x3x32x128xf32, #tpu.memory_space<vmem>>
    %dma_wait3A_219 = tpu.memref_squeeze %dma_wait3A_218 : memref<1x3x32x128xf32, #tpu.memory_space<vmem>> -> memref<3x32x128xf32, #tpu.memory_space<vmem>>
    %dma_wait3A_220 = arith.constant 0 : i32
    %dma_wait3A_221 = tpu.memref_slice %arg2[%dma_wait3A_220, %mul3A_0, %multiple_of3A] : memref<3x64x100000xf32, #tpu.memory_space<hbm>> -> memref<3x32x128xf32, #tpu.memory_space<hbm>>
    %dma_wait3A_222 = arith.constant 0 : i32
    %dma_wait3A_223 = arith.constant 0 : i32
    %dma_wait3A_224 = arith.constant 0 : i32
    %dma_wait3A_225 = tpu.memref_slice %arg6[%dma_wait3A, %dma_wait3A_222, %dma_wait3A_223, %dma_wait3A_224] : memref<4x3x32x128xf32, #tpu.memory_space<vmem>> -> memref<1x3x32x128xf32, #tpu.memory_space<vmem>>
    %dma_wait3A_226 = tpu.memref_squeeze %dma_wait3A_225 : memref<1x3x32x128xf32, #tpu.memory_space<vmem>> -> memref<3x32x128xf32, #tpu.memory_space<vmem>>
    %dma_wait3A_227 = arith.constant 0 : i32
    %dma_wait3A_228 = tpu.memref_slice %arg2[%dma_wait3A_227, %mul3A_0, %multiple_of3A] : memref<3x64x100000xf32, #tpu.memory_space<hbm>> -> memref<3x32x128xf32, #tpu.memory_space<hbm>>
    tpu.wait_dma2 semaphore(%arg8 : memref<!tpu.dma_semaphore, #tpu.memory_space<semaphore_mem>>) src(%dma_wait3A_228 : memref<3x32x128xf32, #tpu.memory_space<hbm>>) dst(%dma_wait3A_226 : memref<3x32x128xf32, #tpu.memory_space<vmem>>)
    %dma_wait3A_229 = arith.constant 1 : i32
    %dma_wait3A_230 = arith.constant 0 : i32
    %dma_wait3A_231 = arith.constant 0 : i32
    %dma_wait3A_232 = arith.constant 0 : i32
    %dma_wait3A_233 = tpu.memref_slice %arg6[%dma_wait3A_229, %dma_wait3A_230, %dma_wait3A_231, %dma_wait3A_232] : memref<4x3x32x128xf32, #tpu.memory_space<vmem>> -> memref<1x3x32x128xf32, #tpu.memory_space<vmem>>
    %dma_wait3A_234 = tpu.memref_squeeze %dma_wait3A_233 : memref<1x3x32x128xf32, #tpu.memory_space<vmem>> -> memref<3x32x128xf32, #tpu.memory_space<vmem>>
    %dma_wait3A_235 = arith.constant 0 : i32
    %dma_wait3A_236 = tpu.memref_slice %arg2[%dma_wait3A_235, %mul3A_0, %multiple_of3A_84] : memref<3x64x100000xf32, #tpu.memory_space<hbm>> -> memref<3x32x128xf32, #tpu.memory_space<hbm>>
    %dma_wait3A_237 = arith.constant 0 : i32
    %dma_wait3A_238 = arith.constant 0 : i32
    %dma_wait3A_239 = arith.constant 0 : i32
    %dma_wait3A_240 = tpu.memref_slice %arg6[%dma_wait3A_229, %dma_wait3A_237, %dma_wait3A_238, %dma_wait3A_239] : memref<4x3x32x128xf32, #tpu.memory_space<vmem>> -> memref<1x3x32x128xf32, #tpu.memory_space<vmem>>
    %dma_wait3A_241 = tpu.memref_squeeze %dma_wait3A_240 : memref<1x3x32x128xf32, #tpu.memory_space<vmem>> -> memref<3x32x128xf32, #tpu.memory_space<vmem>>
    %dma_wait3A_242 = arith.constant 0 : i32
    %dma_wait3A_243 = tpu.memref_slice %arg2[%dma_wait3A_242, %mul3A_0, %multiple_of3A_84] : memref<3x64x100000xf32, #tpu.memory_space<hbm>> -> memref<3x32x128xf32, #tpu.memory_space<hbm>>
    tpu.wait_dma2 semaphore(%arg8 : memref<!tpu.dma_semaphore, #tpu.memory_space<semaphore_mem>>) src(%dma_wait3A_243 : memref<3x32x128xf32, #tpu.memory_space<hbm>>) dst(%dma_wait3A_241 : memref<3x32x128xf32, #tpu.memory_space<vmem>>)
    %dma_wait3A_244 = arith.constant 2 : i32
    %dma_wait3A_245 = arith.constant 0 : i32
    %dma_wait3A_246 = arith.constant 0 : i32
    %dma_wait3A_247 = arith.constant 0 : i32
    %dma_wait3A_248 = tpu.memref_slice %arg6[%dma_wait3A_244, %dma_wait3A_245, %dma_wait3A_246, %dma_wait3A_247] : memref<4x3x32x128xf32, #tpu.memory_space<vmem>> -> memref<1x3x32x128xf32, #tpu.memory_space<vmem>>
    %dma_wait3A_249 = tpu.memref_squeeze %dma_wait3A_248 : memref<1x3x32x128xf32, #tpu.memory_space<vmem>> -> memref<3x32x128xf32, #tpu.memory_space<vmem>>
    %dma_wait3A_250 = arith.constant 0 : i32
    %dma_wait3A_251 = tpu.memref_slice %arg2[%dma_wait3A_250, %mul3A_0, %multiple_of3A_141] : memref<3x64x100000xf32, #tpu.memory_space<hbm>> -> memref<3x32x128xf32, #tpu.memory_space<hbm>>
    %dma_wait3A_252 = arith.constant 0 : i32
    %dma_wait3A_253 = arith.constant 0 : i32
    %dma_wait3A_254 = arith.constant 0 : i32
    %dma_wait3A_255 = tpu.memref_slice %arg6[%dma_wait3A_244, %dma_wait3A_252, %dma_wait3A_253, %dma_wait3A_254] : memref<4x3x32x128xf32, #tpu.memory_space<vmem>> -> memref<1x3x32x128xf32, #tpu.memory_space<vmem>>
    %dma_wait3A_256 = tpu.memref_squeeze %dma_wait3A_255 : memref<1x3x32x128xf32, #tpu.memory_space<vmem>> -> memref<3x32x128xf32, #tpu.memory_space<vmem>>
    %dma_wait3A_257 = arith.constant 0 : i32
    %dma_wait3A_258 = tpu.memref_slice %arg2[%dma_wait3A_257, %mul3A_0, %multiple_of3A_141] : memref<3x64x100000xf32, #tpu.memory_space<hbm>> -> memref<3x32x128xf32, #tpu.memory_space<hbm>>
    tpu.wait_dma2 semaphore(%arg8 : memref<!tpu.dma_semaphore, #tpu.memory_space<semaphore_mem>>) src(%dma_wait3A_258 : memref<3x32x128xf32, #tpu.memory_space<hbm>>) dst(%dma_wait3A_256 : memref<3x32x128xf32, #tpu.memory_space<vmem>>)
    %dma_wait3A_259 = arith.constant 3 : i32
    %dma_wait3A_260 = arith.constant 0 : i32
    %dma_wait3A_261 = arith.constant 0 : i32
    %dma_wait3A_262 = arith.constant 0 : i32
    %dma_wait3A_263 = tpu.memref_slice %arg6[%dma_wait3A_259, %dma_wait3A_260, %dma_wait3A_261, %dma_wait3A_262] : memref<4x3x32x128xf32, #tpu.memory_space<vmem>> -> memref<1x3x32x128xf32, #tpu.memory_space<vmem>>
    %dma_wait3A_264 = tpu.memref_squeeze %dma_wait3A_263 : memref<1x3x32x128xf32, #tpu.memory_space<vmem>> -> memref<3x32x128xf32, #tpu.memory_space<vmem>>
    %dma_wait3A_265 = arith.constant 0 : i32
    %dma_wait3A_266 = tpu.memref_slice %arg2[%dma_wait3A_265, %mul3A_0, %multiple_of3A_198] : memref<3x64x100000xf32, #tpu.memory_space<hbm>> -> memref<3x32x128xf32, #tpu.memory_space<hbm>>
    %dma_wait3A_267 = arith.constant 0 : i32
    %dma_wait3A_268 = arith.constant 0 : i32
    %dma_wait3A_269 = arith.constant 0 : i32
    %dma_wait3A_270 = tpu.memref_slice %arg6[%dma_wait3A_259, %dma_wait3A_267, %dma_wait3A_268, %dma_wait3A_269] : memref<4x3x32x128xf32, #tpu.memory_space<vmem>> -> memref<1x3x32x128xf32, #tpu.memory_space<vmem>>
    %dma_wait3A_271 = tpu.memref_squeeze %dma_wait3A_270 : memref<1x3x32x128xf32, #tpu.memory_space<vmem>> -> memref<3x32x128xf32, #tpu.memory_space<vmem>>
    %dma_wait3A_272 = arith.constant 0 : i32
    %dma_wait3A_273 = tpu.memref_slice %arg2[%dma_wait3A_272, %mul3A_0, %multiple_of3A_198] : memref<3x64x100000xf32, #tpu.memory_space<hbm>> -> memref<3x32x128xf32, #tpu.memory_space<hbm>>
    tpu.wait_dma2 semaphore(%arg8 : memref<!tpu.dma_semaphore, #tpu.memory_space<semaphore_mem>>) src(%dma_wait3A_273 : memref<3x32x128xf32, #tpu.memory_space<hbm>>) dst(%dma_wait3A_271 : memref<3x32x128xf32, #tpu.memory_space<vmem>>)
    %iota3A = tpu.iota {dimensions = array<i32: 0>} : vector<16xi32>
    %add3A_274 = arith.constant 0 : i32
    %add3A_275 = vector.broadcast %add3A_274 : i32 to vector<16xi32>
    %add3A_276 = arith.addi %iota3A, %add3A_275 : vector<16xi32>
    %jit3A_277 = arith.constant 3 : i32
    %div3A_278 = vector.broadcast %jit3A_277 : i32 to vector<16xi32>
    %div3A_279 = arith.divsi %add3A_276, %div3A_278 : vector<16xi32>
    %sign3A_280 = arith.constant 0 : i32
    %sign3A_281 = vector.broadcast %sign3A_280 : i32 to vector<16xi32>
    %sign3A_282 = arith.cmpi sgt, %add3A_276, %sign3A_281 : vector<16xi32>
    %sign3A_283 = arith.extui %sign3A_282 : vector<16xi1> to vector<16xi32>
    %sign3A_284 = arith.constant 0 : i32
    %sign3A_285 = vector.broadcast %sign3A_284 : i32 to vector<16xi32>
    %sign3A_286 = arith.cmpi slt, %add3A_276, %sign3A_285 : vector<16xi32>
    %sign3A_287 = arith.extui %sign3A_286 : vector<16xi1> to vector<16xi32>
    %sign3A_288 = arith.subi %sign3A_283, %sign3A_287 : vector<16xi32>
    %sign3A_289 = arith.constant 0 : i32
    %sign3A_290 = arith.cmpi sgt, %jit3A_277, %sign3A_289 : i32
    %sign3A_291 = arith.extui %sign3A_290 : i1 to i32
    %sign3A_292 = arith.constant 0 : i32
    %sign3A_293 = arith.cmpi slt, %jit3A_277, %sign3A_292 : i32
    %sign3A_294 = arith.extui %sign3A_293 : i1 to i32
    %sign3A_295 = arith.subi %sign3A_291, %sign3A_294 : i32
    %ne3A_296 = vector.broadcast %sign3A_295 : i32 to vector<16xi32>
    %ne3A_297 = arith.cmpi ne, %sign3A_288, %ne3A_296 : vector<16xi32>
    %rem3A_298 = vector.broadcast %jit3A_277 : i32 to vector<16xi32>
    %rem3A_299 = arith.remsi %add3A_276, %rem3A_298 : vector<16xi32>
    %ne3A_300 = arith.constant 0 : i32
    %ne3A_301 = vector.broadcast %ne3A_300 : i32 to vector<16xi32>
    %ne3A_302 = arith.cmpi ne, %rem3A_299, %ne3A_301 : vector<16xi32>
    %and3A_303 = arith.andi %ne3A_297, %ne3A_302 : vector<16xi1>
    %sub3A_304 = arith.constant 1 : i32
    %sub3A_305 = vector.broadcast %sub3A_304 : i32 to vector<16xi32>
    %sub3A_306 = arith.subi %div3A_279, %sub3A_305 : vector<16xi32>
    %select_n3A_307 = arith.select %and3A_303, %sub3A_306, %div3A_279 : vector<16xi1>, vector<16xi32>
    %jit3A_308 = arith.constant 3 : i32
    %eq3A = arith.constant 0 : i32
    %eq3A_309 = arith.cmpi eq, %jit3A_308, %eq3A : i32
    %jit3A_310 = arith.constant 1 : i32
    %select_n3A_311 = arith.select %eq3A_309, %jit3A_310, %jit3A_308 : i32
    %rem3A_312 = vector.broadcast %select_n3A_311 : i32 to vector<16xi32>
    %rem3A_313 = arith.remsi %add3A_276, %rem3A_312 : vector<16xi32>
    %ne3A_314 = arith.constant 0 : i32
    %ne3A_315 = vector.broadcast %ne3A_314 : i32 to vector<16xi32>
    %ne3A_316 = arith.cmpi ne, %rem3A_313, %ne3A_315 : vector<16xi32>
    %lt3A = arith.constant 0 : i32
    %lt3A_317 = vector.broadcast %lt3A : i32 to vector<16xi32>
    %lt3A_318 = arith.cmpi slt, %rem3A_313, %lt3A_317 : vector<16xi32>
    %lt3A_319 = arith.constant 0 : i32
    %lt3A_320 = arith.cmpi slt, %select_n3A_311, %lt3A_319 : i32
    %ne3A_321 = vector.broadcast %lt3A_320 : i1 to vector<16xi1>
    %ne3A_322 = vector.broadcast %ne3A_321 : vector<16xi1> to vector<16xi1>
    %ne3A_323 = arith.xori %lt3A_318, %ne3A_322 : vector<16xi1>
    %and3A_324 = arith.andi %ne3A_323, %ne3A_316 : vector<16xi1>
    %add3A_325 = vector.broadcast %select_n3A_311 : i32 to vector<16xi32>
    %add3A_326 = arith.addi %rem3A_313, %add3A_325 : vector<16xi32>
    %select_n3A_327 = arith.select %and3A_324, %add3A_326, %rem3A_313 : vector<16xi1>, vector<16xi32>
    %broadcast_in_dim3A_328 = vector.broadcast %sub3A_29 : i32 to vector<16xi32>
    %gather3A_329 = arith.constant 0 : i32
    %gather3A_330 = arith.constant 0 : i32
    %gather3A_331 = arith.constant 0 : i32
    %gather3A_332 = arith.constant 0 : i32
    %gather3A_333 = tpu.memref_slice %arg6[%gather3A_329, %gather3A_330, %gather3A_331, %gather3A_332] : memref<4x3x32x128xf32, #tpu.memory_space<vmem>> -> memref<1x3x32x128xf32, #tpu.memory_space<vmem>>
    %gather3A_334 = tpu.memref_squeeze %gather3A_333 : memref<1x3x32x128xf32, #tpu.memory_space<vmem>> -> memref<3x32x128xf32, #tpu.memory_space<vmem>>
    %gather3A_335 = tpu.vector_load_idx %gather3A_334[%select_n3A_327, %select_n3A_307, %broadcast_in_dim3A_328] : memref<3x32x128xf32, #tpu.memory_space<vmem>>[vector<16xi32>, vector<16xi32>, vector<16xi32>], vector<16xf32>,
    %broadcast_in_dim3A_336 = arith.constant 0 : i32
    %broadcast_in_dim3A_337 = vector.broadcast %broadcast_in_dim3A_336 : i32 to vector<16xi32>
    %add3A_338 = arith.constant 0 : i32
    %add3A_339 = vector.broadcast %add3A_338 : i32 to vector<16xi32>
    %add3A_340 = arith.addi %select_n3A_327, %add3A_339 : vector<16xi32>
    tpu.vector_store_idx %arg7[%select_n3A_307, %broadcast_in_dim3A_337, %add3A_340], %gather3A_335 : memref<32x1x12xf32, #tpu.memory_space<vmem>>[vector<16xi32>, vector<16xi32>, vector<16xi32>], vector<16xf32>,
    %iota3A_341 = tpu.iota {dimensions = array<i32: 0>} : vector<16xi32>
    %add3A_342 = arith.constant 16 : i32
    %add3A_343 = vector.broadcast %add3A_342 : i32 to vector<16xi32>
    %add3A_344 = arith.addi %iota3A_341, %add3A_343 : vector<16xi32>
    %jit3A_345 = arith.constant 3 : i32
    %div3A_346 = vector.broadcast %jit3A_345 : i32 to vector<16xi32>
    %div3A_347 = arith.divsi %add3A_344, %div3A_346 : vector<16xi32>
    %sign3A_348 = arith.constant 0 : i32
    %sign3A_349 = vector.broadcast %sign3A_348 : i32 to vector<16xi32>
    %sign3A_350 = arith.cmpi sgt, %add3A_344, %sign3A_349 : vector<16xi32>
    %sign3A_351 = arith.extui %sign3A_350 : vector<16xi1> to vector<16xi32>
    %sign3A_352 = arith.constant 0 : i32
    %sign3A_353 = vector.broadcast %sign3A_352 : i32 to vector<16xi32>
    %sign3A_354 = arith.cmpi slt, %add3A_344, %sign3A_353 : vector<16xi32>
    %sign3A_355 = arith.extui %sign3A_354 : vector<16xi1> to vector<16xi32>
    %sign3A_356 = arith.subi %sign3A_351, %sign3A_355 : vector<16xi32>
    %sign3A_357 = arith.constant 0 : i32
    %sign3A_358 = arith.cmpi sgt, %jit3A_345, %sign3A_357 : i32
    %sign3A_359 = arith.extui %sign3A_358 : i1 to i32
    %sign3A_360 = arith.constant 0 : i32
    %sign3A_361 = arith.cmpi slt, %jit3A_345, %sign3A_360 : i32
    %sign3A_362 = arith.extui %sign3A_361 : i1 to i32
    %sign3A_363 = arith.subi %sign3A_359, %sign3A_362 : i32
    %ne3A_364 = vector.broadcast %sign3A_363 : i32 to vector<16xi32>
    %ne3A_365 = arith.cmpi ne, %sign3A_356, %ne3A_364 : vector<16xi32>
    %rem3A_366 = vector.broadcast %jit3A_345 : i32 to vector<16xi32>
    %rem3A_367 = arith.remsi %add3A_344, %rem3A_366 : vector<16xi32>
    %ne3A_368 = arith.constant 0 : i32
    %ne3A_369 = vector.broadcast %ne3A_368 : i32 to vector<16xi32>
    %ne3A_370 = arith.cmpi ne, %rem3A_367, %ne3A_369 : vector<16xi32>
    %and3A_371 = arith.andi %ne3A_365, %ne3A_370 : vector<16xi1>
    %sub3A_372 = arith.constant 1 : i32
    %sub3A_373 = vector.broadcast %sub3A_372 : i32 to vector<16xi32>
    %sub3A_374 = arith.subi %div3A_347, %sub3A_373 : vector<16xi32>
    %select_n3A_375 = arith.select %and3A_371, %sub3A_374, %div3A_347 : vector<16xi1>, vector<16xi32>
    %jit3A_376 = arith.constant 3 : i32
    %eq3A_377 = arith.constant 0 : i32
    %eq3A_378 = arith.cmpi eq, %jit3A_376, %eq3A_377 : i32
    %jit3A_379 = arith.constant 1 : i32
    %select_n3A_380 = arith.select %eq3A_378, %jit3A_379, %jit3A_376 : i32
    %rem3A_381 = vector.broadcast %select_n3A_380 : i32 to vector<16xi32>
    %rem3A_382 = arith.remsi %add3A_344, %rem3A_381 : vector<16xi32>
    %ne3A_383 = arith.constant 0 : i32
    %ne3A_384 = vector.broadcast %ne3A_383 : i32 to vector<16xi32>
    %ne3A_385 = arith.cmpi ne, %rem3A_382, %ne3A_384 : vector<16xi32>
    %lt3A_386 = arith.constant 0 : i32
    %lt3A_387 = vector.broadcast %lt3A_386 : i32 to vector<16xi32>
    %lt3A_388 = arith.cmpi slt, %rem3A_382, %lt3A_387 : vector<16xi32>
    %lt3A_389 = arith.constant 0 : i32
    %lt3A_390 = arith.cmpi slt, %select_n3A_380, %lt3A_389 : i32
    %ne3A_391 = vector.broadcast %lt3A_390 : i1 to vector<16xi1>
    %ne3A_392 = vector.broadcast %ne3A_391 : vector<16xi1> to vector<16xi1>
    %ne3A_393 = arith.xori %lt3A_388, %ne3A_392 : vector<16xi1>
    %and3A_394 = arith.andi %ne3A_393, %ne3A_385 : vector<16xi1>
    %add3A_395 = vector.broadcast %select_n3A_380 : i32 to vector<16xi32>
    %add3A_396 = arith.addi %rem3A_382, %add3A_395 : vector<16xi32>
    %select_n3A_397 = arith.select %and3A_394, %add3A_396, %rem3A_382 : vector<16xi1>, vector<16xi32>
    %broadcast_in_dim3A_398 = vector.broadcast %sub3A_29 : i32 to vector<16xi32>
    %gather3A_399 = arith.constant 0 : i32
    %gather3A_400 = arith.constant 0 : i32
    %gather3A_401 = arith.constant 0 : i32
    %gather3A_402 = arith.constant 0 : i32
    %gather3A_403 = tpu.memref_slice %arg6[%gather3A_399, %gather3A_400, %gather3A_401, %gather3A_402] : memref<4x3x32x128xf32, #tpu.memory_space<vmem>> -> memref<1x3x32x128xf32, #tpu.memory_space<vmem>>
    %gather3A_404 = tpu.memref_squeeze %gather3A_403 : memref<1x3x32x128xf32, #tpu.memory_space<vmem>> -> memref<3x32x128xf32, #tpu.memory_space<vmem>>
    %gather3A_405 = tpu.vector_load_idx %gather3A_404[%select_n3A_397, %select_n3A_375, %broadcast_in_dim3A_398] : memref<3x32x128xf32, #tpu.memory_space<vmem>>[vector<16xi32>, vector<16xi32>, vector<16xi32>], vector<16xf32>,
    %broadcast_in_dim3A_406 = arith.constant 0 : i32
    %broadcast_in_dim3A_407 = vector.broadcast %broadcast_in_dim3A_406 : i32 to vector<16xi32>
    %add3A_408 = arith.constant 0 : i32
    %add3A_409 = vector.broadcast %add3A_408 : i32 to vector<16xi32>
    %add3A_410 = arith.addi %select_n3A_397, %add3A_409 : vector<16xi32>
    tpu.vector_store_idx %arg7[%select_n3A_375, %broadcast_in_dim3A_407, %add3A_410], %gather3A_405 : memref<32x1x12xf32, #tpu.memory_space<vmem>>[vector<16xi32>, vector<16xi32>, vector<16xi32>], vector<16xf32>,
    %iota3A_411 = tpu.iota {dimensions = array<i32: 0>} : vector<16xi32>
    %add3A_412 = arith.constant 32 : i32
    %add3A_413 = vector.broadcast %add3A_412 : i32 to vector<16xi32>
    %add3A_414 = arith.addi %iota3A_411, %add3A_413 : vector<16xi32>
    %jit3A_415 = arith.constant 3 : i32
    %div3A_416 = vector.broadcast %jit3A_415 : i32 to vector<16xi32>
    %div3A_417 = arith.divsi %add3A_414, %div3A_416 : vector<16xi32>
    %sign3A_418 = arith.constant 0 : i32
    %sign3A_419 = vector.broadcast %sign3A_418 : i32 to vector<16xi32>
    %sign3A_420 = arith.cmpi sgt, %add3A_414, %sign3A_419 : vector<16xi32>
    %sign3A_421 = arith.extui %sign3A_420 : vector<16xi1> to vector<16xi32>
    %sign3A_422 = arith.constant 0 : i32
    %sign3A_423 = vector.broadcast %sign3A_422 : i32 to vector<16xi32>
    %sign3A_424 = arith.cmpi slt, %add3A_414, %sign3A_423 : vector<16xi32>
    %sign3A_425 = arith.extui %sign3A_424 : vector<16xi1> to vector<16xi32>
    %sign3A_426 = arith.subi %sign3A_421, %sign3A_425 : vector<16xi32>
    %sign3A_427 = arith.constant 0 : i32
    %sign3A_428 = arith.cmpi sgt, %jit3A_415, %sign3A_427 : i32
    %sign3A_429 = arith.extui %sign3A_428 : i1 to i32
    %sign3A_430 = arith.constant 0 : i32
    %sign3A_431 = arith.cmpi slt, %jit3A_415, %sign3A_430 : i32
    %sign3A_432 = arith.extui %sign3A_431 : i1 to i32
    %sign3A_433 = arith.subi %sign3A_429, %sign3A_432 : i32
    %ne3A_434 = vector.broadcast %sign3A_433 : i32 to vector<16xi32>
    %ne3A_435 = arith.cmpi ne, %sign3A_426, %ne3A_434 : vector<16xi32>
    %rem3A_436 = vector.broadcast %jit3A_415 : i32 to vector<16xi32>
    %rem3A_437 = arith.remsi %add3A_414, %rem3A_436 : vector<16xi32>
    %ne3A_438 = arith.constant 0 : i32
    %ne3A_439 = vector.broadcast %ne3A_438 : i32 to vector<16xi32>
    %ne3A_440 = arith.cmpi ne, %rem3A_437, %ne3A_439 : vector<16xi32>
    %and3A_441 = arith.andi %ne3A_435, %ne3A_440 : vector<16xi1>
    %sub3A_442 = arith.constant 1 : i32
    %sub3A_443 = vector.broadcast %sub3A_442 : i32 to vector<16xi32>
    %sub3A_444 = arith.subi %div3A_417, %sub3A_443 : vector<16xi32>
    %select_n3A_445 = arith.select %and3A_441, %sub3A_444, %div3A_417 : vector<16xi1>, vector<16xi32>
    %jit3A_446 = arith.constant 3 : i32
    %eq3A_447 = arith.constant 0 : i32
    %eq3A_448 = arith.cmpi eq, %jit3A_446, %eq3A_447 : i32
    %jit3A_449 = arith.constant 1 : i32
    %select_n3A_450 = arith.select %eq3A_448, %jit3A_449, %jit3A_446 : i32
    %rem3A_451 = vector.broadcast %select_n3A_450 : i32 to vector<16xi32>
    %rem3A_452 = arith.remsi %add3A_414, %rem3A_451 : vector<16xi32>
    %ne3A_453 = arith.constant 0 : i32
    %ne3A_454 = vector.broadcast %ne3A_453 : i32 to vector<16xi32>
    %ne3A_455 = arith.cmpi ne, %rem3A_452, %ne3A_454 : vector<16xi32>
    %lt3A_456 = arith.constant 0 : i32
    %lt3A_457 = vector.broadcast %lt3A_456 : i32 to vector<16xi32>
    %lt3A_458 = arith.cmpi slt, %rem3A_452, %lt3A_457 : vector<16xi32>
    %lt3A_459 = arith.constant 0 : i32
    %lt3A_460 = arith.cmpi slt, %select_n3A_450, %lt3A_459 : i32
    %ne3A_461 = vector.broadcast %lt3A_460 : i1 to vector<16xi1>
    %ne3A_462 = vector.broadcast %ne3A_461 : vector<16xi1> to vector<16xi1>
    %ne3A_463 = arith.xori %lt3A_458, %ne3A_462 : vector<16xi1>
    %and3A_464 = arith.andi %ne3A_463, %ne3A_455 : vector<16xi1>
    %add3A_465 = vector.broadcast %select_n3A_450 : i32 to vector<16xi32>
    %add3A_466 = arith.addi %rem3A_452, %add3A_465 : vector<16xi32>
    %select_n3A_467 = arith.select %and3A_464, %add3A_466, %rem3A_452 : vector<16xi1>, vector<16xi32>
    %broadcast_in_dim3A_468 = vector.broadcast %sub3A_29 : i32 to vector<16xi32>
    %gather3A_469 = arith.constant 0 : i32
    %gather3A_470 = arith.constant 0 : i32
    %gather3A_471 = arith.constant 0 : i32
    %gather3A_472 = arith.constant 0 : i32
    %gather3A_473 = tpu.memref_slice %arg6[%gather3A_469, %gather3A_470, %gather3A_471, %gather3A_472] : memref<4x3x32x128xf32, #tpu.memory_space<vmem>> -> memref<1x3x32x128xf32, #tpu.memory_space<vmem>>
    %gather3A_474 = tpu.memref_squeeze %gather3A_473 : memref<1x3x32x128xf32, #tpu.memory_space<vmem>> -> memref<3x32x128xf32, #tpu.memory_space<vmem>>
    %gather3A_475 = tpu.vector_load_idx %gather3A_474[%select_n3A_467, %select_n3A_445, %broadcast_in_dim3A_468] : memref<3x32x128xf32, #tpu.memory_space<vmem>>[vector<16xi32>, vector<16xi32>, vector<16xi32>], vector<16xf32>,
    %broadcast_in_dim3A_476 = arith.constant 0 : i32
    %broadcast_in_dim3A_477 = vector.broadcast %broadcast_in_dim3A_476 : i32 to vector<16xi32>
    %add3A_478 = arith.constant 0 : i32
    %add3A_479 = vector.broadcast %add3A_478 : i32 to vector<16xi32>
    %add3A_480 = arith.addi %select_n3A_467, %add3A_479 : vector<16xi32>
    tpu.vector_store_idx %arg7[%select_n3A_445, %broadcast_in_dim3A_477, %add3A_480], %gather3A_475 : memref<32x1x12xf32, #tpu.memory_space<vmem>>[vector<16xi32>, vector<16xi32>, vector<16xi32>], vector<16xf32>,
    %iota3A_481 = tpu.iota {dimensions = array<i32: 0>} : vector<16xi32>
    %add3A_482 = arith.constant 48 : i32
    %add3A_483 = vector.broadcast %add3A_482 : i32 to vector<16xi32>
    %add3A_484 = arith.addi %iota3A_481, %add3A_483 : vector<16xi32>
    %jit3A_485 = arith.constant 3 : i32
    %div3A_486 = vector.broadcast %jit3A_485 : i32 to vector<16xi32>
    %div3A_487 = arith.divsi %add3A_484, %div3A_486 : vector<16xi32>
    %sign3A_488 = arith.constant 0 : i32
    %sign3A_489 = vector.broadcast %sign3A_488 : i32 to vector<16xi32>
    %sign3A_490 = arith.cmpi sgt, %add3A_484, %sign3A_489 : vector<16xi32>
    %sign3A_491 = arith.extui %sign3A_490 : vector<16xi1> to vector<16xi32>
    %sign3A_492 = arith.constant 0 : i32
    %sign3A_493 = vector.broadcast %sign3A_492 : i32 to vector<16xi32>
    %sign3A_494 = arith.cmpi slt, %add3A_484, %sign3A_493 : vector<16xi32>
    %sign3A_495 = arith.extui %sign3A_494 : vector<16xi1> to vector<16xi32>
    %sign3A_496 = arith.subi %sign3A_491, %sign3A_495 : vector<16xi32>
    %sign3A_497 = arith.constant 0 : i32
    %sign3A_498 = arith.cmpi sgt, %jit3A_485, %sign3A_497 : i32
    %sign3A_499 = arith.extui %sign3A_498 : i1 to i32
    %sign3A_500 = arith.constant 0 : i32
    %sign3A_501 = arith.cmpi slt, %jit3A_485, %sign3A_500 : i32
    %sign3A_502 = arith.extui %sign3A_501 : i1 to i32
    %sign3A_503 = arith.subi %sign3A_499, %sign3A_502 : i32
    %ne3A_504 = vector.broadcast %sign3A_503 : i32 to vector<16xi32>
    %ne3A_505 = arith.cmpi ne, %sign3A_496, %ne3A_504 : vector<16xi32>
    %rem3A_506 = vector.broadcast %jit3A_485 : i32 to vector<16xi32>
    %rem3A_507 = arith.remsi %add3A_484, %rem3A_506 : vector<16xi32>
    %ne3A_508 = arith.constant 0 : i32
    %ne3A_509 = vector.broadcast %ne3A_508 : i32 to vector<16xi32>
    %ne3A_510 = arith.cmpi ne, %rem3A_507, %ne3A_509 : vector<16xi32>
    %and3A_511 = arith.andi %ne3A_505, %ne3A_510 : vector<16xi1>
    %sub3A_512 = arith.constant 1 : i32
    %sub3A_513 = vector.broadcast %sub3A_512 : i32 to vector<16xi32>
    %sub3A_514 = arith.subi %div3A_487, %sub3A_513 : vector<16xi32>
    %select_n3A_515 = arith.select %and3A_511, %sub3A_514, %div3A_487 : vector<16xi1>, vector<16xi32>
    %jit3A_516 = arith.constant 3 : i32
    %eq3A_517 = arith.constant 0 : i32
    %eq3A_518 = arith.cmpi eq, %jit3A_516, %eq3A_517 : i32
    %jit3A_519 = arith.constant 1 : i32
    %select_n3A_520 = arith.select %eq3A_518, %jit3A_519, %jit3A_516 : i32
    %rem3A_521 = vector.broadcast %select_n3A_520 : i32 to vector<16xi32>
    %rem3A_522 = arith.remsi %add3A_484, %rem3A_521 : vector<16xi32>
    %ne3A_523 = arith.constant 0 : i32
    %ne3A_524 = vector.broadcast %ne3A_523 : i32 to vector<16xi32>
    %ne3A_525 = arith.cmpi ne, %rem3A_522, %ne3A_524 : vector<16xi32>
    %lt3A_526 = arith.constant 0 : i32
    %lt3A_527 = vector.broadcast %lt3A_526 : i32 to vector<16xi32>
    %lt3A_528 = arith.cmpi slt, %rem3A_522, %lt3A_527 : vector<16xi32>
    %lt3A_529 = arith.constant 0 : i32
    %lt3A_530 = arith.cmpi slt, %select_n3A_520, %lt3A_529 : i32
    %ne3A_531 = vector.broadcast %lt3A_530 : i1 to vector<16xi1>
    %ne3A_532 = vector.broadcast %ne3A_531 : vector<16xi1> to vector<16xi1>
    %ne3A_533 = arith.xori %lt3A_528, %ne3A_532 : vector<16xi1>
    %and3A_534 = arith.andi %ne3A_533, %ne3A_525 : vector<16xi1>
    %add3A_535 = vector.broadcast %select_n3A_520 : i32 to vector<16xi32>
    %add3A_536 = arith.addi %rem3A_522, %add3A_535 : vector<16xi32>
    %select_n3A_537 = arith.select %and3A_534, %add3A_536, %rem3A_522 : vector<16xi1>, vector<16xi32>
    %broadcast_in_dim3A_538 = vector.broadcast %sub3A_29 : i32 to vector<16xi32>
    %gather3A_539 = arith.constant 0 : i32
    %gather3A_540 = arith.constant 0 : i32
    %gather3A_541 = arith.constant 0 : i32
    %gather3A_542 = arith.constant 0 : i32
    %gather3A_543 = tpu.memref_slice %arg6[%gather3A_539, %gather3A_540, %gather3A_541, %gather3A_542] : memref<4x3x32x128xf32, #tpu.memory_space<vmem>> -> memref<1x3x32x128xf32, #tpu.memory_space<vmem>>
    %gather3A_544 = tpu.memref_squeeze %gather3A_543 : memref<1x3x32x128xf32, #tpu.memory_space<vmem>> -> memref<3x32x128xf32, #tpu.memory_space<vmem>>
    %gather3A_545 = tpu.vector_load_idx %gather3A_544[%select_n3A_537, %select_n3A_515, %broadcast_in_dim3A_538] : memref<3x32x128xf32, #tpu.memory_space<vmem>>[vector<16xi32>, vector<16xi32>, vector<16xi32>], vector<16xf32>,
    %broadcast_in_dim3A_546 = arith.constant 0 : i32
    %broadcast_in_dim3A_547 = vector.broadcast %broadcast_in_dim3A_546 : i32 to vector<16xi32>
    %add3A_548 = arith.constant 0 : i32
    %add3A_549 = vector.broadcast %add3A_548 : i32 to vector<16xi32>
    %add3A_550 = arith.addi %select_n3A_537, %add3A_549 : vector<16xi32>
    tpu.vector_store_idx %arg7[%select_n3A_515, %broadcast_in_dim3A_547, %add3A_550], %gather3A_545 : memref<32x1x12xf32, #tpu.memory_space<vmem>>[vector<16xi32>, vector<16xi32>, vector<16xi32>], vector<16xf32>,
    %iota3A_551 = tpu.iota {dimensions = array<i32: 0>} : vector<16xi32>
    %add3A_552 = arith.constant 64 : i32
    %add3A_553 = vector.broadcast %add3A_552 : i32 to vector<16xi32>
    %add3A_554 = arith.addi %iota3A_551, %add3A_553 : vector<16xi32>
    %jit3A_555 = arith.constant 3 : i32
    %div3A_556 = vector.broadcast %jit3A_555 : i32 to vector<16xi32>
    %div3A_557 = arith.divsi %add3A_554, %div3A_556 : vector<16xi32>
    %sign3A_558 = arith.constant 0 : i32
    %sign3A_559 = vector.broadcast %sign3A_558 : i32 to vector<16xi32>
    %sign3A_560 = arith.cmpi sgt, %add3A_554, %sign3A_559 : vector<16xi32>
    %sign3A_561 = arith.extui %sign3A_560 : vector<16xi1> to vector<16xi32>
    %sign3A_562 = arith.constant 0 : i32
    %sign3A_563 = vector.broadcast %sign3A_562 : i32 to vector<16xi32>
    %sign3A_564 = arith.cmpi slt, %add3A_554, %sign3A_563 : vector<16xi32>
    %sign3A_565 = arith.extui %sign3A_564 : vector<16xi1> to vector<16xi32>
    %sign3A_566 = arith.subi %sign3A_561, %sign3A_565 : vector<16xi32>
    %sign3A_567 = arith.constant 0 : i32
    %sign3A_568 = arith.cmpi sgt, %jit3A_555, %sign3A_567 : i32
    %sign3A_569 = arith.extui %sign3A_568 : i1 to i32
    %sign3A_570 = arith.constant 0 : i32
    %sign3A_571 = arith.cmpi slt, %jit3A_555, %sign3A_570 : i32
    %sign3A_572 = arith.extui %sign3A_571 : i1 to i32
    %sign3A_573 = arith.subi %sign3A_569, %sign3A_572 : i32
    %ne3A_574 = vector.broadcast %sign3A_573 : i32 to vector<16xi32>
    %ne3A_575 = arith.cmpi ne, %sign3A_566, %ne3A_574 : vector<16xi32>
    %rem3A_576 = vector.broadcast %jit3A_555 : i32 to vector<16xi32>
    %rem3A_577 = arith.remsi %add3A_554, %rem3A_576 : vector<16xi32>
    %ne3A_578 = arith.constant 0 : i32
    %ne3A_579 = vector.broadcast %ne3A_578 : i32 to vector<16xi32>
    %ne3A_580 = arith.cmpi ne, %rem3A_577, %ne3A_579 : vector<16xi32>
    %and3A_581 = arith.andi %ne3A_575, %ne3A_580 : vector<16xi1>
    %sub3A_582 = arith.constant 1 : i32
    %sub3A_583 = vector.broadcast %sub3A_582 : i32 to vector<16xi32>
    %sub3A_584 = arith.subi %div3A_557, %sub3A_583 : vector<16xi32>
    %select_n3A_585 = arith.select %and3A_581, %sub3A_584, %div3A_557 : vector<16xi1>, vector<16xi32>
    %jit3A_586 = arith.constant 3 : i32
    %eq3A_587 = arith.constant 0 : i32
    %eq3A_588 = arith.cmpi eq, %jit3A_586, %eq3A_587 : i32
    %jit3A_589 = arith.constant 1 : i32
    %select_n3A_590 = arith.select %eq3A_588, %jit3A_589, %jit3A_586 : i32
    %rem3A_591 = vector.broadcast %select_n3A_590 : i32 to vector<16xi32>
    %rem3A_592 = arith.remsi %add3A_554, %rem3A_591 : vector<16xi32>
    %ne3A_593 = arith.constant 0 : i32
    %ne3A_594 = vector.broadcast %ne3A_593 : i32 to vector<16xi32>
    %ne3A_595 = arith.cmpi ne, %rem3A_592, %ne3A_594 : vector<16xi32>
    %lt3A_596 = arith.constant 0 : i32
    %lt3A_597 = vector.broadcast %lt3A_596 : i32 to vector<16xi32>
    %lt3A_598 = arith.cmpi slt, %rem3A_592, %lt3A_597 : vector<16xi32>
    %lt3A_599 = arith.constant 0 : i32
    %lt3A_600 = arith.cmpi slt, %select_n3A_590, %lt3A_599 : i32
    %ne3A_601 = vector.broadcast %lt3A_600 : i1 to vector<16xi1>
    %ne3A_602 = vector.broadcast %ne3A_601 : vector<16xi1> to vector<16xi1>
    %ne3A_603 = arith.xori %lt3A_598, %ne3A_602 : vector<16xi1>
    %and3A_604 = arith.andi %ne3A_603, %ne3A_595 : vector<16xi1>
    %add3A_605 = vector.broadcast %select_n3A_590 : i32 to vector<16xi32>
    %add3A_606 = arith.addi %rem3A_592, %add3A_605 : vector<16xi32>
    %select_n3A_607 = arith.select %and3A_604, %add3A_606, %rem3A_592 : vector<16xi1>, vector<16xi32>
    %broadcast_in_dim3A_608 = vector.broadcast %sub3A_29 : i32 to vector<16xi32>
    %gather3A_609 = arith.constant 0 : i32
    %gather3A_610 = arith.constant 0 : i32
    %gather3A_611 = arith.constant 0 : i32
    %gather3A_612 = arith.constant 0 : i32
    %gather3A_613 = tpu.memref_slice %arg6[%gather3A_609, %gather3A_610, %gather3A_611, %gather3A_612] : memref<4x3x32x128xf32, #tpu.memory_space<vmem>> -> memref<1x3x32x128xf32, #tpu.memory_space<vmem>>
    %gather3A_614 = tpu.memref_squeeze %gather3A_613 : memref<1x3x32x128xf32, #tpu.memory_space<vmem>> -> memref<3x32x128xf32, #tpu.memory_space<vmem>>
    %gather3A_615 = tpu.vector_load_idx %gather3A_614[%select_n3A_607, %select_n3A_585, %broadcast_in_dim3A_608] : memref<3x32x128xf32, #tpu.memory_space<vmem>>[vector<16xi32>, vector<16xi32>, vector<16xi32>], vector<16xf32>,
    %broadcast_in_dim3A_616 = arith.constant 0 : i32
    %broadcast_in_dim3A_617 = vector.broadcast %broadcast_in_dim3A_616 : i32 to vector<16xi32>
    %add3A_618 = arith.constant 0 : i32
    %add3A_619 = vector.broadcast %add3A_618 : i32 to vector<16xi32>
    %add3A_620 = arith.addi %select_n3A_607, %add3A_619 : vector<16xi32>
    tpu.vector_store_idx %arg7[%select_n3A_585, %broadcast_in_dim3A_617, %add3A_620], %gather3A_615 : memref<32x1x12xf32, #tpu.memory_space<vmem>>[vector<16xi32>, vector<16xi32>, vector<16xi32>], vector<16xf32>,
    %iota3A_621 = tpu.iota {dimensions = array<i32: 0>} : vector<16xi32>
    %add3A_622 = arith.constant 80 : i32
    %add3A_623 = vector.broadcast %add3A_622 : i32 to vector<16xi32>
    %add3A_624 = arith.addi %iota3A_621, %add3A_623 : vector<16xi32>
    %jit3A_625 = arith.constant 3 : i32
    %div3A_626 = vector.broadcast %jit3A_625 : i32 to vector<16xi32>
    %div3A_627 = arith.divsi %add3A_624, %div3A_626 : vector<16xi32>
    %sign3A_628 = arith.constant 0 : i32
    %sign3A_629 = vector.broadcast %sign3A_628 : i32 to vector<16xi32>
    %sign3A_630 = arith.cmpi sgt, %add3A_624, %sign3A_629 : vector<16xi32>
    %sign3A_631 = arith.extui %sign3A_630 : vector<16xi1> to vector<16xi32>
    %sign3A_632 = arith.constant 0 : i32
    %sign3A_633 = vector.broadcast %sign3A_632 : i32 to vector<16xi32>
    %sign3A_634 = arith.cmpi slt, %add3A_624, %sign3A_633 : vector<16xi32>
    %sign3A_635 = arith.extui %sign3A_634 : vector<16xi1> to vector<16xi32>
    %sign3A_636 = arith.subi %sign3A_631, %sign3A_635 : vector<16xi32>
    %sign3A_637 = arith.constant 0 : i32
    %sign3A_638 = arith.cmpi sgt, %jit3A_625, %sign3A_637 : i32
    %sign3A_639 = arith.extui %sign3A_638 : i1 to i32
    %sign3A_640 = arith.constant 0 : i32
    %sign3A_641 = arith.cmpi slt, %jit3A_625, %sign3A_640 : i32
    %sign3A_642 = arith.extui %sign3A_641 : i1 to i32
    %sign3A_643 = arith.subi %sign3A_639, %sign3A_642 : i32
    %ne3A_644 = vector.broadcast %sign3A_643 : i32 to vector<16xi32>
    %ne3A_645 = arith.cmpi ne, %sign3A_636, %ne3A_644 : vector<16xi32>
    %rem3A_646 = vector.broadcast %jit3A_625 : i32 to vector<16xi32>
    %rem3A_647 = arith.remsi %add3A_624, %rem3A_646 : vector<16xi32>
    %ne3A_648 = arith.constant 0 : i32
    %ne3A_649 = vector.broadcast %ne3A_648 : i32 to vector<16xi32>
    %ne3A_650 = arith.cmpi ne, %rem3A_647, %ne3A_649 : vector<16xi32>
    %and3A_651 = arith.andi %ne3A_645, %ne3A_650 : vector<16xi1>
    %sub3A_652 = arith.constant 1 : i32
    %sub3A_653 = vector.broadcast %sub3A_652 : i32 to vector<16xi32>
    %sub3A_654 = arith.subi %div3A_627, %sub3A_653 : vector<16xi32>
    %select_n3A_655 = arith.select %and3A_651, %sub3A_654, %div3A_627 : vector<16xi1>, vector<16xi32>
    %jit3A_656 = arith.constant 3 : i32
    %eq3A_657 = arith.constant 0 : i32
    %eq3A_658 = arith.cmpi eq, %jit3A_656, %eq3A_657 : i32
    %jit3A_659 = arith.constant 1 : i32
    %select_n3A_660 = arith.select %eq3A_658, %jit3A_659, %jit3A_656 : i32
    %rem3A_661 = vector.broadcast %select_n3A_660 : i32 to vector<16xi32>
    %rem3A_662 = arith.remsi %add3A_624, %rem3A_661 : vector<16xi32>
    %ne3A_663 = arith.constant 0 : i32
    %ne3A_664 = vector.broadcast %ne3A_663 : i32 to vector<16xi32>
    %ne3A_665 = arith.cmpi ne, %rem3A_662, %ne3A_664 : vector<16xi32>
    %lt3A_666 = arith.constant 0 : i32
    %lt3A_667 = vector.broadcast %lt3A_666 : i32 to vector<16xi32>
    %lt3A_668 = arith.cmpi slt, %rem3A_662, %lt3A_667 : vector<16xi32>
    %lt3A_669 = arith.constant 0 : i32
    %lt3A_670 = arith.cmpi slt, %select_n3A_660, %lt3A_669 : i32
    %ne3A_671 = vector.broadcast %lt3A_670 : i1 to vector<16xi1>
    %ne3A_672 = vector.broadcast %ne3A_671 : vector<16xi1> to vector<16xi1>
    %ne3A_673 = arith.xori %lt3A_668, %ne3A_672 : vector<16xi1>
    %and3A_674 = arith.andi %ne3A_673, %ne3A_665 : vector<16xi1>
    %add3A_675 = vector.broadcast %select_n3A_660 : i32 to vector<16xi32>
    %add3A_676 = arith.addi %rem3A_662, %add3A_675 : vector<16xi32>
    %select_n3A_677 = arith.select %and3A_674, %add3A_676, %rem3A_662 : vector<16xi1>, vector<16xi32>
    %broadcast_in_dim3A_678 = vector.broadcast %sub3A_29 : i32 to vector<16xi32>
    %gather3A_679 = arith.constant 0 : i32
    %gather3A_680 = arith.constant 0 : i32
    %gather3A_681 = arith.constant 0 : i32
    %gather3A_682 = arith.constant 0 : i32
    %gather3A_683 = tpu.memref_slice %arg6[%gather3A_679, %gather3A_680, %gather3A_681, %gather3A_682] : memref<4x3x32x128xf32, #tpu.memory_space<vmem>> -> memref<1x3x32x128xf32, #tpu.memory_space<vmem>>
    %gather3A_684 = tpu.memref_squeeze %gather3A_683 : memref<1x3x32x128xf32, #tpu.memory_space<vmem>> -> memref<3x32x128xf32, #tpu.memory_space<vmem>>
    %gather3A_685 = tpu.vector_load_idx %gather3A_684[%select_n3A_677, %select_n3A_655, %broadcast_in_dim3A_678] : memref<3x32x128xf32, #tpu.memory_space<vmem>>[vector<16xi32>, vector<16xi32>, vector<16xi32>], vector<16xf32>,
    %broadcast_in_dim3A_686 = arith.constant 0 : i32
    %broadcast_in_dim3A_687 = vector.broadcast %broadcast_in_dim3A_686 : i32 to vector<16xi32>
    %add3A_688 = arith.constant 0 : i32
    %add3A_689 = vector.broadcast %add3A_688 : i32 to vector<16xi32>
    %add3A_690 = arith.addi %select_n3A_677, %add3A_689 : vector<16xi32>
    tpu.vector_store_idx %arg7[%select_n3A_655, %broadcast_in_dim3A_687, %add3A_690], %gather3A_685 : memref<32x1x12xf32, #tpu.memory_space<vmem>>[vector<16xi32>, vector<16xi32>, vector<16xi32>], vector<16xf32>,
    %iota3A_691 = tpu.iota {dimensions = array<i32: 0>} : vector<16xi32>
    %add3A_692 = arith.constant 0 : i32
    %add3A_693 = vector.broadcast %add3A_692 : i32 to vector<16xi32>
    %add3A_694 = arith.addi %iota3A_691, %add3A_693 : vector<16xi32>
    %jit3A_695 = arith.constant 3 : i32
    %div3A_696 = vector.broadcast %jit3A_695 : i32 to vector<16xi32>
    %div3A_697 = arith.divsi %add3A_694, %div3A_696 : vector<16xi32>
    %sign3A_698 = arith.constant 0 : i32
    %sign3A_699 = vector.broadcast %sign3A_698 : i32 to vector<16xi32>
    %sign3A_700 = arith.cmpi sgt, %add3A_694, %sign3A_699 : vector<16xi32>
    %sign3A_701 = arith.extui %sign3A_700 : vector<16xi1> to vector<16xi32>
    %sign3A_702 = arith.constant 0 : i32
    %sign3A_703 = vector.broadcast %sign3A_702 : i32 to vector<16xi32>
    %sign3A_704 = arith.cmpi slt, %add3A_694, %sign3A_703 : vector<16xi32>
    %sign3A_705 = arith.extui %sign3A_704 : vector<16xi1> to vector<16xi32>
    %sign3A_706 = arith.subi %sign3A_701, %sign3A_705 : vector<16xi32>
    %sign3A_707 = arith.constant 0 : i32
    %sign3A_708 = arith.cmpi sgt, %jit3A_695, %sign3A_707 : i32
    %sign3A_709 = arith.extui %sign3A_708 : i1 to i32
    %sign3A_710 = arith.constant 0 : i32
    %sign3A_711 = arith.cmpi slt, %jit3A_695, %sign3A_710 : i32
    %sign3A_712 = arith.extui %sign3A_711 : i1 to i32
    %sign3A_713 = arith.subi %sign3A_709, %sign3A_712 : i32
    %ne3A_714 = vector.broadcast %sign3A_713 : i32 to vector<16xi32>
    %ne3A_715 = arith.cmpi ne, %sign3A_706, %ne3A_714 : vector<16xi32>
    %rem3A_716 = vector.broadcast %jit3A_695 : i32 to vector<16xi32>
    %rem3A_717 = arith.remsi %add3A_694, %rem3A_716 : vector<16xi32>
    %ne3A_718 = arith.constant 0 : i32
    %ne3A_719 = vector.broadcast %ne3A_718 : i32 to vector<16xi32>
    %ne3A_720 = arith.cmpi ne, %rem3A_717, %ne3A_719 : vector<16xi32>
    %and3A_721 = arith.andi %ne3A_715, %ne3A_720 : vector<16xi1>
    %sub3A_722 = arith.constant 1 : i32
    %sub3A_723 = vector.broadcast %sub3A_722 : i32 to vector<16xi32>
    %sub3A_724 = arith.subi %div3A_697, %sub3A_723 : vector<16xi32>
    %select_n3A_725 = arith.select %and3A_721, %sub3A_724, %div3A_697 : vector<16xi1>, vector<16xi32>
    %jit3A_726 = arith.constant 3 : i32
    %eq3A_727 = arith.constant 0 : i32
    %eq3A_728 = arith.cmpi eq, %jit3A_726, %eq3A_727 : i32
    %jit3A_729 = arith.constant 1 : i32
    %select_n3A_730 = arith.select %eq3A_728, %jit3A_729, %jit3A_726 : i32
    %rem3A_731 = vector.broadcast %select_n3A_730 : i32 to vector<16xi32>
    %rem3A_732 = arith.remsi %add3A_694, %rem3A_731 : vector<16xi32>
    %ne3A_733 = arith.constant 0 : i32
    %ne3A_734 = vector.broadcast %ne3A_733 : i32 to vector<16xi32>
    %ne3A_735 = arith.cmpi ne, %rem3A_732, %ne3A_734 : vector<16xi32>
    %lt3A_736 = arith.constant 0 : i32
    %lt3A_737 = vector.broadcast %lt3A_736 : i32 to vector<16xi32>
    %lt3A_738 = arith.cmpi slt, %rem3A_732, %lt3A_737 : vector<16xi32>
    %lt3A_739 = arith.constant 0 : i32
    %lt3A_740 = arith.cmpi slt, %select_n3A_730, %lt3A_739 : i32
    %ne3A_741 = vector.broadcast %lt3A_740 : i1 to vector<16xi1>
    %ne3A_742 = vector.broadcast %ne3A_741 : vector<16xi1> to vector<16xi1>
    %ne3A_743 = arith.xori %lt3A_738, %ne3A_742 : vector<16xi1>
    %and3A_744 = arith.andi %ne3A_743, %ne3A_735 : vector<16xi1>
    %add3A_745 = vector.broadcast %select_n3A_730 : i32 to vector<16xi32>
    %add3A_746 = arith.addi %rem3A_732, %add3A_745 : vector<16xi32>
    %select_n3A_747 = arith.select %and3A_744, %add3A_746, %rem3A_732 : vector<16xi1>, vector<16xi32>
    %broadcast_in_dim3A_748 = vector.broadcast %sub3A_85 : i32 to vector<16xi32>
    %gather3A_749 = arith.constant 1 : i32
    %gather3A_750 = arith.constant 0 : i32
    %gather3A_751 = arith.constant 0 : i32
    %gather3A_752 = arith.constant 0 : i32
    %gather3A_753 = tpu.memref_slice %arg6[%gather3A_749, %gather3A_750, %gather3A_751, %gather3A_752] : memref<4x3x32x128xf32, #tpu.memory_space<vmem>> -> memref<1x3x32x128xf32, #tpu.memory_space<vmem>>
    %gather3A_754 = tpu.memref_squeeze %gather3A_753 : memref<1x3x32x128xf32, #tpu.memory_space<vmem>> -> memref<3x32x128xf32, #tpu.memory_space<vmem>>
    %gather3A_755 = tpu.vector_load_idx %gather3A_754[%select_n3A_747, %select_n3A_725, %broadcast_in_dim3A_748] : memref<3x32x128xf32, #tpu.memory_space<vmem>>[vector<16xi32>, vector<16xi32>, vector<16xi32>], vector<16xf32>,
    %broadcast_in_dim3A_756 = arith.constant 0 : i32
    %broadcast_in_dim3A_757 = vector.broadcast %broadcast_in_dim3A_756 : i32 to vector<16xi32>
    %add3A_758 = arith.constant 3 : i32
    %add3A_759 = vector.broadcast %add3A_758 : i32 to vector<16xi32>
    %add3A_760 = arith.addi %select_n3A_747, %add3A_759 : vector<16xi32>
    tpu.vector_store_idx %arg7[%select_n3A_725, %broadcast_in_dim3A_757, %add3A_760], %gather3A_755 : memref<32x1x12xf32, #tpu.memory_space<vmem>>[vector<16xi32>, vector<16xi32>, vector<16xi32>], vector<16xf32>,
    %iota3A_761 = tpu.iota {dimensions = array<i32: 0>} : vector<16xi32>
    %add3A_762 = arith.constant 16 : i32
    %add3A_763 = vector.broadcast %add3A_762 : i32 to vector<16xi32>
    %add3A_764 = arith.addi %iota3A_761, %add3A_763 : vector<16xi32>
    %jit3A_765 = arith.constant 3 : i32
    %div3A_766 = vector.broadcast %jit3A_765 : i32 to vector<16xi32>
    %div3A_767 = arith.divsi %add3A_764, %div3A_766 : vector<16xi32>
    %sign3A_768 = arith.constant 0 : i32
    %sign3A_769 = vector.broadcast %sign3A_768 : i32 to vector<16xi32>
    %sign3A_770 = arith.cmpi sgt, %add3A_764, %sign3A_769 : vector<16xi32>
    %sign3A_771 = arith.extui %sign3A_770 : vector<16xi1> to vector<16xi32>
    %sign3A_772 = arith.constant 0 : i32
    %sign3A_773 = vector.broadcast %sign3A_772 : i32 to vector<16xi32>
    %sign3A_774 = arith.cmpi slt, %add3A_764, %sign3A_773 : vector<16xi32>
    %sign3A_775 = arith.extui %sign3A_774 : vector<16xi1> to vector<16xi32>
    %sign3A_776 = arith.subi %sign3A_771, %sign3A_775 : vector<16xi32>
    %sign3A_777 = arith.constant 0 : i32
    %sign3A_778 = arith.cmpi sgt, %jit3A_765, %sign3A_777 : i32
    %sign3A_779 = arith.extui %sign3A_778 : i1 to i32
    %sign3A_780 = arith.constant 0 : i32
    %sign3A_781 = arith.cmpi slt, %jit3A_765, %sign3A_780 : i32
    %sign3A_782 = arith.extui %sign3A_781 : i1 to i32
    %sign3A_783 = arith.subi %sign3A_779, %sign3A_782 : i32
    %ne3A_784 = vector.broadcast %sign3A_783 : i32 to vector<16xi32>
    %ne3A_785 = arith.cmpi ne, %sign3A_776, %ne3A_784 : vector<16xi32>
    %rem3A_786 = vector.broadcast %jit3A_765 : i32 to vector<16xi32>
    %rem3A_787 = arith.remsi %add3A_764, %rem3A_786 : vector<16xi32>
    %ne3A_788 = arith.constant 0 : i32
    %ne3A_789 = vector.broadcast %ne3A_788 : i32 to vector<16xi32>
    %ne3A_790 = arith.cmpi ne, %rem3A_787, %ne3A_789 : vector<16xi32>
    %and3A_791 = arith.andi %ne3A_785, %ne3A_790 : vector<16xi1>
    %sub3A_792 = arith.constant 1 : i32
    %sub3A_793 = vector.broadcast %sub3A_792 : i32 to vector<16xi32>
    %sub3A_794 = arith.subi %div3A_767, %sub3A_793 : vector<16xi32>
    %select_n3A_795 = arith.select %and3A_791, %sub3A_794, %div3A_767 : vector<16xi1>, vector<16xi32>
    %jit3A_796 = arith.constant 3 : i32
    %eq3A_797 = arith.constant 0 : i32
    %eq3A_798 = arith.cmpi eq, %jit3A_796, %eq3A_797 : i32
    %jit3A_799 = arith.constant 1 : i32
    %select_n3A_800 = arith.select %eq3A_798, %jit3A_799, %jit3A_796 : i32
    %rem3A_801 = vector.broadcast %select_n3A_800 : i32 to vector<16xi32>
    %rem3A_802 = arith.remsi %add3A_764, %rem3A_801 : vector<16xi32>
    %ne3A_803 = arith.constant 0 : i32
    %ne3A_804 = vector.broadcast %ne3A_803 : i32 to vector<16xi32>
    %ne3A_805 = arith.cmpi ne, %rem3A_802, %ne3A_804 : vector<16xi32>
    %lt3A_806 = arith.constant 0 : i32
    %lt3A_807 = vector.broadcast %lt3A_806 : i32 to vector<16xi32>
    %lt3A_808 = arith.cmpi slt, %rem3A_802, %lt3A_807 : vector<16xi32>
    %lt3A_809 = arith.constant 0 : i32
    %lt3A_810 = arith.cmpi slt, %select_n3A_800, %lt3A_809 : i32
    %ne3A_811 = vector.broadcast %lt3A_810 : i1 to vector<16xi1>
    %ne3A_812 = vector.broadcast %ne3A_811 : vector<16xi1> to vector<16xi1>
    %ne3A_813 = arith.xori %lt3A_808, %ne3A_812 : vector<16xi1>
    %and3A_814 = arith.andi %ne3A_813, %ne3A_805 : vector<16xi1>
    %add3A_815 = vector.broadcast %select_n3A_800 : i32 to vector<16xi32>
    %add3A_816 = arith.addi %rem3A_802, %add3A_815 : vector<16xi32>
    %select_n3A_817 = arith.select %and3A_814, %add3A_816, %rem3A_802 : vector<16xi1>, vector<16xi32>
    %broadcast_in_dim3A_818 = vector.broadcast %sub3A_85 : i32 to vector<16xi32>
    %gather3A_819 = arith.constant 1 : i32
    %gather3A_820 = arith.constant 0 : i32
    %gather3A_821 = arith.constant 0 : i32
    %gather3A_822 = arith.constant 0 : i32
    %gather3A_823 = tpu.memref_slice %arg6[%gather3A_819, %gather3A_820, %gather3A_821, %gather3A_822] : memref<4x3x32x128xf32, #tpu.memory_space<vmem>> -> memref<1x3x32x128xf32, #tpu.memory_space<vmem>>
    %gather3A_824 = tpu.memref_squeeze %gather3A_823 : memref<1x3x32x128xf32, #tpu.memory_space<vmem>> -> memref<3x32x128xf32, #tpu.memory_space<vmem>>
    %gather3A_825 = tpu.vector_load_idx %gather3A_824[%select_n3A_817, %select_n3A_795, %broadcast_in_dim3A_818] : memref<3x32x128xf32, #tpu.memory_space<vmem>>[vector<16xi32>, vector<16xi32>, vector<16xi32>], vector<16xf32>,
    %broadcast_in_dim3A_826 = arith.constant 0 : i32
    %broadcast_in_dim3A_827 = vector.broadcast %broadcast_in_dim3A_826 : i32 to vector<16xi32>
    %add3A_828 = arith.constant 3 : i32
    %add3A_829 = vector.broadcast %add3A_828 : i32 to vector<16xi32>
    %add3A_830 = arith.addi %select_n3A_817, %add3A_829 : vector<16xi32>
    tpu.vector_store_idx %arg7[%select_n3A_795, %broadcast_in_dim3A_827, %add3A_830], %gather3A_825 : memref<32x1x12xf32, #tpu.memory_space<vmem>>[vector<16xi32>, vector<16xi32>, vector<16xi32>], vector<16xf32>,
    %iota3A_831 = tpu.iota {dimensions = array<i32: 0>} : vector<16xi32>
    %add3A_832 = arith.constant 32 : i32
    %add3A_833 = vector.broadcast %add3A_832 : i32 to vector<16xi32>
    %add3A_834 = arith.addi %iota3A_831, %add3A_833 : vector<16xi32>
    %jit3A_835 = arith.constant 3 : i32
    %div3A_836 = vector.broadcast %jit3A_835 : i32 to vector<16xi32>
    %div3A_837 = arith.divsi %add3A_834, %div3A_836 : vector<16xi32>
    %sign3A_838 = arith.constant 0 : i32
    %sign3A_839 = vector.broadcast %sign3A_838 : i32 to vector<16xi32>
    %sign3A_840 = arith.cmpi sgt, %add3A_834, %sign3A_839 : vector<16xi32>
    %sign3A_841 = arith.extui %sign3A_840 : vector<16xi1> to vector<16xi32>
    %sign3A_842 = arith.constant 0 : i32
    %sign3A_843 = vector.broadcast %sign3A_842 : i32 to vector<16xi32>
    %sign3A_844 = arith.cmpi slt, %add3A_834, %sign3A_843 : vector<16xi32>
    %sign3A_845 = arith.extui %sign3A_844 : vector<16xi1> to vector<16xi32>
    %sign3A_846 = arith.subi %sign3A_841, %sign3A_845 : vector<16xi32>
    %sign3A_847 = arith.constant 0 : i32
    %sign3A_848 = arith.cmpi sgt, %jit3A_835, %sign3A_847 : i32
    %sign3A_849 = arith.extui %sign3A_848 : i1 to i32
    %sign3A_850 = arith.constant 0 : i32
    %sign3A_851 = arith.cmpi slt, %jit3A_835, %sign3A_850 : i32
    %sign3A_852 = arith.extui %sign3A_851 : i1 to i32
    %sign3A_853 = arith.subi %sign3A_849, %sign3A_852 : i32
    %ne3A_854 = vector.broadcast %sign3A_853 : i32 to vector<16xi32>
    %ne3A_855 = arith.cmpi ne, %sign3A_846, %ne3A_854 : vector<16xi32>
    %rem3A_856 = vector.broadcast %jit3A_835 : i32 to vector<16xi32>
    %rem3A_857 = arith.remsi %add3A_834, %rem3A_856 : vector<16xi32>
    %ne3A_858 = arith.constant 0 : i32
    %ne3A_859 = vector.broadcast %ne3A_858 : i32 to vector<16xi32>
    %ne3A_860 = arith.cmpi ne, %rem3A_857, %ne3A_859 : vector<16xi32>
    %and3A_861 = arith.andi %ne3A_855, %ne3A_860 : vector<16xi1>
    %sub3A_862 = arith.constant 1 : i32
    %sub3A_863 = vector.broadcast %sub3A_862 : i32 to vector<16xi32>
    %sub3A_864 = arith.subi %div3A_837, %sub3A_863 : vector<16xi32>
    %select_n3A_865 = arith.select %and3A_861, %sub3A_864, %div3A_837 : vector<16xi1>, vector<16xi32>
    %jit3A_866 = arith.constant 3 : i32
    %eq3A_867 = arith.constant 0 : i32
    %eq3A_868 = arith.cmpi eq, %jit3A_866, %eq3A_867 : i32
    %jit3A_869 = arith.constant 1 : i32
    %select_n3A_870 = arith.select %eq3A_868, %jit3A_869, %jit3A_866 : i32
    %rem3A_871 = vector.broadcast %select_n3A_870 : i32 to vector<16xi32>
    %rem3A_872 = arith.remsi %add3A_834, %rem3A_871 : vector<16xi32>
    %ne3A_873 = arith.constant 0 : i32
    %ne3A_874 = vector.broadcast %ne3A_873 : i32 to vector<16xi32>
    %ne3A_875 = arith.cmpi ne, %rem3A_872, %ne3A_874 : vector<16xi32>
    %lt3A_876 = arith.constant 0 : i32
    %lt3A_877 = vector.broadcast %lt3A_876 : i32 to vector<16xi32>
    %lt3A_878 = arith.cmpi slt, %rem3A_872, %lt3A_877 : vector<16xi32>
    %lt3A_879 = arith.constant 0 : i32
    %lt3A_880 = arith.cmpi slt, %select_n3A_870, %lt3A_879 : i32
    %ne3A_881 = vector.broadcast %lt3A_880 : i1 to vector<16xi1>
    %ne3A_882 = vector.broadcast %ne3A_881 : vector<16xi1> to vector<16xi1>
    %ne3A_883 = arith.xori %lt3A_878, %ne3A_882 : vector<16xi1>
    %and3A_884 = arith.andi %ne3A_883, %ne3A_875 : vector<16xi1>
    %add3A_885 = vector.broadcast %select_n3A_870 : i32 to vector<16xi32>
    %add3A_886 = arith.addi %rem3A_872, %add3A_885 : vector<16xi32>
    %select_n3A_887 = arith.select %and3A_884, %add3A_886, %rem3A_872 : vector<16xi1>, vector<16xi32>
    %broadcast_in_dim3A_888 = vector.broadcast %sub3A_85 : i32 to vector<16xi32>
    %gather3A_889 = arith.constant 1 : i32
    %gather3A_890 = arith.constant 0 : i32
    %gather3A_891 = arith.constant 0 : i32
    %gather3A_892 = arith.constant 0 : i32
    %gather3A_893 = tpu.memref_slice %arg6[%gather3A_889, %gather3A_890, %gather3A_891, %gather3A_892] : memref<4x3x32x128xf32, #tpu.memory_space<vmem>> -> memref<1x3x32x128xf32, #tpu.memory_space<vmem>>
    %gather3A_894 = tpu.memref_squeeze %gather3A_893 : memref<1x3x32x128xf32, #tpu.memory_space<vmem>> -> memref<3x32x128xf32, #tpu.memory_space<vmem>>
    %gather3A_895 = tpu.vector_load_idx %gather3A_894[%select_n3A_887, %select_n3A_865, %broadcast_in_dim3A_888] : memref<3x32x128xf32, #tpu.memory_space<vmem>>[vector<16xi32>, vector<16xi32>, vector<16xi32>], vector<16xf32>,
    %broadcast_in_dim3A_896 = arith.constant 0 : i32
    %broadcast_in_dim3A_897 = vector.broadcast %broadcast_in_dim3A_896 : i32 to vector<16xi32>
    %add3A_898 = arith.constant 3 : i32
    %add3A_899 = vector.broadcast %add3A_898 : i32 to vector<16xi32>
    %add3A_900 = arith.addi %select_n3A_887, %add3A_899 : vector<16xi32>
    tpu.vector_store_idx %arg7[%select_n3A_865, %broadcast_in_dim3A_897, %add3A_900], %gather3A_895 : memref<32x1x12xf32, #tpu.memory_space<vmem>>[vector<16xi32>, vector<16xi32>, vector<16xi32>], vector<16xf32>,
    %iota3A_901 = tpu.iota {dimensions = array<i32: 0>} : vector<16xi32>
    %add3A_902 = arith.constant 48 : i32
    %add3A_903 = vector.broadcast %add3A_902 : i32 to vector<16xi32>
    %add3A_904 = arith.addi %iota3A_901, %add3A_903 : vector<16xi32>
    %jit3A_905 = arith.constant 3 : i32
    %div3A_906 = vector.broadcast %jit3A_905 : i32 to vector<16xi32>
    %div3A_907 = arith.divsi %add3A_904, %div3A_906 : vector<16xi32>
    %sign3A_908 = arith.constant 0 : i32
    %sign3A_909 = vector.broadcast %sign3A_908 : i32 to vector<16xi32>
    %sign3A_910 = arith.cmpi sgt, %add3A_904, %sign3A_909 : vector<16xi32>
    %sign3A_911 = arith.extui %sign3A_910 : vector<16xi1> to vector<16xi32>
    %sign3A_912 = arith.constant 0 : i32
    %sign3A_913 = vector.broadcast %sign3A_912 : i32 to vector<16xi32>
    %sign3A_914 = arith.cmpi slt, %add3A_904, %sign3A_913 : vector<16xi32>
    %sign3A_915 = arith.extui %sign3A_914 : vector<16xi1> to vector<16xi32>
    %sign3A_916 = arith.subi %sign3A_911, %sign3A_915 : vector<16xi32>
    %sign3A_917 = arith.constant 0 : i32
    %sign3A_918 = arith.cmpi sgt, %jit3A_905, %sign3A_917 : i32
    %sign3A_919 = arith.extui %sign3A_918 : i1 to i32
    %sign3A_920 = arith.constant 0 : i32
    %sign3A_921 = arith.cmpi slt, %jit3A_905, %sign3A_920 : i32
    %sign3A_922 = arith.extui %sign3A_921 : i1 to i32
    %sign3A_923 = arith.subi %sign3A_919, %sign3A_922 : i32
    %ne3A_924 = vector.broadcast %sign3A_923 : i32 to vector<16xi32>
    %ne3A_925 = arith.cmpi ne, %sign3A_916, %ne3A_924 : vector<16xi32>
    %rem3A_926 = vector.broadcast %jit3A_905 : i32 to vector<16xi32>
    %rem3A_927 = arith.remsi %add3A_904, %rem3A_926 : vector<16xi32>
    %ne3A_928 = arith.constant 0 : i32
    %ne3A_929 = vector.broadcast %ne3A_928 : i32 to vector<16xi32>
    %ne3A_930 = arith.cmpi ne, %rem3A_927, %ne3A_929 : vector<16xi32>
    %and3A_931 = arith.andi %ne3A_925, %ne3A_930 : vector<16xi1>
    %sub3A_932 = arith.constant 1 : i32
    %sub3A_933 = vector.broadcast %sub3A_932 : i32 to vector<16xi32>
    %sub3A_934 = arith.subi %div3A_907, %sub3A_933 : vector<16xi32>
    %select_n3A_935 = arith.select %and3A_931, %sub3A_934, %div3A_907 : vector<16xi1>, vector<16xi32>
    %jit3A_936 = arith.constant 3 : i32
    %eq3A_937 = arith.constant 0 : i32
    %eq3A_938 = arith.cmpi eq, %jit3A_936, %eq3A_937 : i32
    %jit3A_939 = arith.constant 1 : i32
    %select_n3A_940 = arith.select %eq3A_938, %jit3A_939, %jit3A_936 : i32
    %rem3A_941 = vector.broadcast %select_n3A_940 : i32 to vector<16xi32>
    %rem3A_942 = arith.remsi %add3A_904, %rem3A_941 : vector<16xi32>
    %ne3A_943 = arith.constant 0 : i32
    %ne3A_944 = vector.broadcast %ne3A_943 : i32 to vector<16xi32>
    %ne3A_945 = arith.cmpi ne, %rem3A_942, %ne3A_944 : vector<16xi32>
    %lt3A_946 = arith.constant 0 : i32
    %lt3A_947 = vector.broadcast %lt3A_946 : i32 to vector<16xi32>
    %lt3A_948 = arith.cmpi slt, %rem3A_942, %lt3A_947 : vector<16xi32>
    %lt3A_949 = arith.constant 0 : i32
    %lt3A_950 = arith.cmpi slt, %select_n3A_940, %lt3A_949 : i32
    %ne3A_951 = vector.broadcast %lt3A_950 : i1 to vector<16xi1>
    %ne3A_952 = vector.broadcast %ne3A_951 : vector<16xi1> to vector<16xi1>
    %ne3A_953 = arith.xori %lt3A_948, %ne3A_952 : vector<16xi1>
    %and3A_954 = arith.andi %ne3A_953, %ne3A_945 : vector<16xi1>
    %add3A_955 = vector.broadcast %select_n3A_940 : i32 to vector<16xi32>
    %add3A_956 = arith.addi %rem3A_942, %add3A_955 : vector<16xi32>
    %select_n3A_957 = arith.select %and3A_954, %add3A_956, %rem3A_942 : vector<16xi1>, vector<16xi32>
    %broadcast_in_dim3A_958 = vector.broadcast %sub3A_85 : i32 to vector<16xi32>
    %gather3A_959 = arith.constant 1 : i32
    %gather3A_960 = arith.constant 0 : i32
    %gather3A_961 = arith.constant 0 : i32
    %gather3A_962 = arith.constant 0 : i32
    %gather3A_963 = tpu.memref_slice %arg6[%gather3A_959, %gather3A_960, %gather3A_961, %gather3A_962] : memref<4x3x32x128xf32, #tpu.memory_space<vmem>> -> memref<1x3x32x128xf32, #tpu.memory_space<vmem>>
    %gather3A_964 = tpu.memref_squeeze %gather3A_963 : memref<1x3x32x128xf32, #tpu.memory_space<vmem>> -> memref<3x32x128xf32, #tpu.memory_space<vmem>>
    %gather3A_965 = tpu.vector_load_idx %gather3A_964[%select_n3A_957, %select_n3A_935, %broadcast_in_dim3A_958] : memref<3x32x128xf32, #tpu.memory_space<vmem>>[vector<16xi32>, vector<16xi32>, vector<16xi32>], vector<16xf32>,
    %broadcast_in_dim3A_966 = arith.constant 0 : i32
    %broadcast_in_dim3A_967 = vector.broadcast %broadcast_in_dim3A_966 : i32 to vector<16xi32>
    %add3A_968 = arith.constant 3 : i32
    %add3A_969 = vector.broadcast %add3A_968 : i32 to vector<16xi32>
    %add3A_970 = arith.addi %select_n3A_957, %add3A_969 : vector<16xi32>
    tpu.vector_store_idx %arg7[%select_n3A_935, %broadcast_in_dim3A_967, %add3A_970], %gather3A_965 : memref<32x1x12xf32, #tpu.memory_space<vmem>>[vector<16xi32>, vector<16xi32>, vector<16xi32>], vector<16xf32>,
    %iota3A_971 = tpu.iota {dimensions = array<i32: 0>} : vector<16xi32>
    %add3A_972 = arith.constant 64 : i32
    %add3A_973 = vector.broadcast %add3A_972 : i32 to vector<16xi32>
    %add3A_974 = arith.addi %iota3A_971, %add3A_973 : vector<16xi32>
    %jit3A_975 = arith.constant 3 : i32
    %div3A_976 = vector.broadcast %jit3A_975 : i32 to vector<16xi32>
    %div3A_977 = arith.divsi %add3A_974, %div3A_976 : vector<16xi32>
    %sign3A_978 = arith.constant 0 : i32
    %sign3A_979 = vector.broadcast %sign3A_978 : i32 to vector<16xi32>
    %sign3A_980 = arith.cmpi sgt, %add3A_974, %sign3A_979 : vector<16xi32>
    %sign3A_981 = arith.extui %sign3A_980 : vector<16xi1> to vector<16xi32>
    %sign3A_982 = arith.constant 0 : i32
    %sign3A_983 = vector.broadcast %sign3A_982 : i32 to vector<16xi32>
    %sign3A_984 = arith.cmpi slt, %add3A_974, %sign3A_983 : vector<16xi32>
    %sign3A_985 = arith.extui %sign3A_984 : vector<16xi1> to vector<16xi32>
    %sign3A_986 = arith.subi %sign3A_981, %sign3A_985 : vector<16xi32>
    %sign3A_987 = arith.constant 0 : i32
    %sign3A_988 = arith.cmpi sgt, %jit3A_975, %sign3A_987 : i32
    %sign3A_989 = arith.extui %sign3A_988 : i1 to i32
    %sign3A_990 = arith.constant 0 : i32
    %sign3A_991 = arith.cmpi slt, %jit3A_975, %sign3A_990 : i32
    %sign3A_992 = arith.extui %sign3A_991 : i1 to i32
    %sign3A_993 = arith.subi %sign3A_989, %sign3A_992 : i32
    %ne3A_994 = vector.broadcast %sign3A_993 : i32 to vector<16xi32>
    %ne3A_995 = arith.cmpi ne, %sign3A_986, %ne3A_994 : vector<16xi32>
    %rem3A_996 = vector.broadcast %jit3A_975 : i32 to vector<16xi32>
    %rem3A_997 = arith.remsi %add3A_974, %rem3A_996 : vector<16xi32>
    %ne3A_998 = arith.constant 0 : i32
    %ne3A_999 = vector.broadcast %ne3A_998 : i32 to vector<16xi32>
    %ne3A_1000 = arith.cmpi ne, %rem3A_997, %ne3A_999 : vector<16xi32>
    %and3A_1001 = arith.andi %ne3A_995, %ne3A_1000 : vector<16xi1>
    %sub3A_1002 = arith.constant 1 : i32
    %sub3A_1003 = vector.broadcast %sub3A_1002 : i32 to vector<16xi32>
    %sub3A_1004 = arith.subi %div3A_977, %sub3A_1003 : vector<16xi32>
    %select_n3A_1005 = arith.select %and3A_1001, %sub3A_1004, %div3A_977 : vector<16xi1>, vector<16xi32>
    %jit3A_1006 = arith.constant 3 : i32
    %eq3A_1007 = arith.constant 0 : i32
    %eq3A_1008 = arith.cmpi eq, %jit3A_1006, %eq3A_1007 : i32
    %jit3A_1009 = arith.constant 1 : i32
    %select_n3A_1010 = arith.select %eq3A_1008, %jit3A_1009, %jit3A_1006 : i32
    %rem3A_1011 = vector.broadcast %select_n3A_1010 : i32 to vector<16xi32>
    %rem3A_1012 = arith.remsi %add3A_974, %rem3A_1011 : vector<16xi32>
    %ne3A_1013 = arith.constant 0 : i32
    %ne3A_1014 = vector.broadcast %ne3A_1013 : i32 to vector<16xi32>
    %ne3A_1015 = arith.cmpi ne, %rem3A_1012, %ne3A_1014 : vector<16xi32>
    %lt3A_1016 = arith.constant 0 : i32
    %lt3A_1017 = vector.broadcast %lt3A_1016 : i32 to vector<16xi32>
    %lt3A_1018 = arith.cmpi slt, %rem3A_1012, %lt3A_1017 : vector<16xi32>
    %lt3A_1019 = arith.constant 0 : i32
    %lt3A_1020 = arith.cmpi slt, %select_n3A_1010, %lt3A_1019 : i32
    %ne3A_1021 = vector.broadcast %lt3A_1020 : i1 to vector<16xi1>
    %ne3A_1022 = vector.broadcast %ne3A_1021 : vector<16xi1> to vector<16xi1>
    %ne3A_1023 = arith.xori %lt3A_1018, %ne3A_1022 : vector<16xi1>
    %and3A_1024 = arith.andi %ne3A_1023, %ne3A_1015 : vector<16xi1>
    %add3A_1025 = vector.broadcast %select_n3A_1010 : i32 to vector<16xi32>
    %add3A_1026 = arith.addi %rem3A_1012, %add3A_1025 : vector<16xi32>
    %select_n3A_1027 = arith.select %and3A_1024, %add3A_1026, %rem3A_1012 : vector<16xi1>, vector<16xi32>
    %broadcast_in_dim3A_1028 = vector.broadcast %sub3A_85 : i32 to vector<16xi32>
    %gather3A_1029 = arith.constant 1 : i32
    %gather3A_1030 = arith.constant 0 : i32
    %gather3A_1031 = arith.constant 0 : i32
    %gather3A_1032 = arith.constant 0 : i32
    %gather3A_1033 = tpu.memref_slice %arg6[%gather3A_1029, %gather3A_1030, %gather3A_1031, %gather3A_1032] : memref<4x3x32x128xf32, #tpu.memory_space<vmem>> -> memref<1x3x32x128xf32, #tpu.memory_space<vmem>>
    %gather3A_1034 = tpu.memref_squeeze %gather3A_1033 : memref<1x3x32x128xf32, #tpu.memory_space<vmem>> -> memref<3x32x128xf32, #tpu.memory_space<vmem>>
    %gather3A_1035 = tpu.vector_load_idx %gather3A_1034[%select_n3A_1027, %select_n3A_1005, %broadcast_in_dim3A_1028] : memref<3x32x128xf32, #tpu.memory_space<vmem>>[vector<16xi32>, vector<16xi32>, vector<16xi32>], vector<16xf32>,
    %broadcast_in_dim3A_1036 = arith.constant 0 : i32
    %broadcast_in_dim3A_1037 = vector.broadcast %broadcast_in_dim3A_1036 : i32 to vector<16xi32>
    %add3A_1038 = arith.constant 3 : i32
    %add3A_1039 = vector.broadcast %add3A_1038 : i32 to vector<16xi32>
    %add3A_1040 = arith.addi %select_n3A_1027, %add3A_1039 : vector<16xi32>
    tpu.vector_store_idx %arg7[%select_n3A_1005, %broadcast_in_dim3A_1037, %add3A_1040], %gather3A_1035 : memref<32x1x12xf32, #tpu.memory_space<vmem>>[vector<16xi32>, vector<16xi32>, vector<16xi32>], vector<16xf32>,
    %iota3A_1041 = tpu.iota {dimensions = array<i32: 0>} : vector<16xi32>
    %add3A_1042 = arith.constant 80 : i32
    %add3A_1043 = vector.broadcast %add3A_1042 : i32 to vector<16xi32>
    %add3A_1044 = arith.addi %iota3A_1041, %add3A_1043 : vector<16xi32>
    %jit3A_1045 = arith.constant 3 : i32
    %div3A_1046 = vector.broadcast %jit3A_1045 : i32 to vector<16xi32>
    %div3A_1047 = arith.divsi %add3A_1044, %div3A_1046 : vector<16xi32>
    %sign3A_1048 = arith.constant 0 : i32
    %sign3A_1049 = vector.broadcast %sign3A_1048 : i32 to vector<16xi32>
    %sign3A_1050 = arith.cmpi sgt, %add3A_1044, %sign3A_1049 : vector<16xi32>
    %sign3A_1051 = arith.extui %sign3A_1050 : vector<16xi1> to vector<16xi32>
    %sign3A_1052 = arith.constant 0 : i32
    %sign3A_1053 = vector.broadcast %sign3A_1052 : i32 to vector<16xi32>
    %sign3A_1054 = arith.cmpi slt, %add3A_1044, %sign3A_1053 : vector<16xi32>
    %sign3A_1055 = arith.extui %sign3A_1054 : vector<16xi1> to vector<16xi32>
    %sign3A_1056 = arith.subi %sign3A_1051, %sign3A_1055 : vector<16xi32>
    %sign3A_1057 = arith.constant 0 : i32
    %sign3A_1058 = arith.cmpi sgt, %jit3A_1045, %sign3A_1057 : i32
    %sign3A_1059 = arith.extui %sign3A_1058 : i1 to i32
    %sign3A_1060 = arith.constant 0 : i32
    %sign3A_1061 = arith.cmpi slt, %jit3A_1045, %sign3A_1060 : i32
    %sign3A_1062 = arith.extui %sign3A_1061 : i1 to i32
    %sign3A_1063 = arith.subi %sign3A_1059, %sign3A_1062 : i32
    %ne3A_1064 = vector.broadcast %sign3A_1063 : i32 to vector<16xi32>
    %ne3A_1065 = arith.cmpi ne, %sign3A_1056, %ne3A_1064 : vector<16xi32>
    %rem3A_1066 = vector.broadcast %jit3A_1045 : i32 to vector<16xi32>
    %rem3A_1067 = arith.remsi %add3A_1044, %rem3A_1066 : vector<16xi32>
    %ne3A_1068 = arith.constant 0 : i32
    %ne3A_1069 = vector.broadcast %ne3A_1068 : i32 to vector<16xi32>
    %ne3A_1070 = arith.cmpi ne, %rem3A_1067, %ne3A_1069 : vector<16xi32>
    %and3A_1071 = arith.andi %ne3A_1065, %ne3A_1070 : vector<16xi1>
    %sub3A_1072 = arith.constant 1 : i32
    %sub3A_1073 = vector.broadcast %sub3A_1072 : i32 to vector<16xi32>
    %sub3A_1074 = arith.subi %div3A_1047, %sub3A_1073 : vector<16xi32>
    %select_n3A_1075 = arith.select %and3A_1071, %sub3A_1074, %div3A_1047 : vector<16xi1>, vector<16xi32>
    %jit3A_1076 = arith.constant 3 : i32
    %eq3A_1077 = arith.constant 0 : i32
    %eq3A_1078 = arith.cmpi eq, %jit3A_1076, %eq3A_1077 : i32
    %jit3A_1079 = arith.constant 1 : i32
    %select_n3A_1080 = arith.select %eq3A_1078, %jit3A_1079, %jit3A_1076 : i32
    %rem3A_1081 = vector.broadcast %select_n3A_1080 : i32 to vector<16xi32>
    %rem3A_1082 = arith.remsi %add3A_1044, %rem3A_1081 : vector<16xi32>
    %ne3A_1083 = arith.constant 0 : i32
    %ne3A_1084 = vector.broadcast %ne3A_1083 : i32 to vector<16xi32>
    %ne3A_1085 = arith.cmpi ne, %rem3A_1082, %ne3A_1084 : vector<16xi32>
    %lt3A_1086 = arith.constant 0 : i32
    %lt3A_1087 = vector.broadcast %lt3A_1086 : i32 to vector<16xi32>
    %lt3A_1088 = arith.cmpi slt, %rem3A_1082, %lt3A_1087 : vector<16xi32>
    %lt3A_1089 = arith.constant 0 : i32
    %lt3A_1090 = arith.cmpi slt, %select_n3A_1080, %lt3A_1089 : i32
    %ne3A_1091 = vector.broadcast %lt3A_1090 : i1 to vector<16xi1>
    %ne3A_1092 = vector.broadcast %ne3A_1091 : vector<16xi1> to vector<16xi1>
    %ne3A_1093 = arith.xori %lt3A_1088, %ne3A_1092 : vector<16xi1>
    %and3A_1094 = arith.andi %ne3A_1093, %ne3A_1085 : vector<16xi1>
    %add3A_1095 = vector.broadcast %select_n3A_1080 : i32 to vector<16xi32>
    %add3A_1096 = arith.addi %rem3A_1082, %add3A_1095 : vector<16xi32>
    %select_n3A_1097 = arith.select %and3A_1094, %add3A_1096, %rem3A_1082 : vector<16xi1>, vector<16xi32>
    %broadcast_in_dim3A_1098 = vector.broadcast %sub3A_85 : i32 to vector<16xi32>
    %gather3A_1099 = arith.constant 1 : i32
    %gather3A_1100 = arith.constant 0 : i32
    %gather3A_1101 = arith.constant 0 : i32
    %gather3A_1102 = arith.constant 0 : i32
    %gather3A_1103 = tpu.memref_slice %arg6[%gather3A_1099, %gather3A_1100, %gather3A_1101, %gather3A_1102] : memref<4x3x32x128xf32, #tpu.memory_space<vmem>> -> memref<1x3x32x128xf32, #tpu.memory_space<vmem>>
    %gather3A_1104 = tpu.memref_squeeze %gather3A_1103 : memref<1x3x32x128xf32, #tpu.memory_space<vmem>> -> memref<3x32x128xf32, #tpu.memory_space<vmem>>
    %gather3A_1105 = tpu.vector_load_idx %gather3A_1104[%select_n3A_1097, %select_n3A_1075, %broadcast_in_dim3A_1098] : memref<3x32x128xf32, #tpu.memory_space<vmem>>[vector<16xi32>, vector<16xi32>, vector<16xi32>], vector<16xf32>,
    %broadcast_in_dim3A_1106 = arith.constant 0 : i32
    %broadcast_in_dim3A_1107 = vector.broadcast %broadcast_in_dim3A_1106 : i32 to vector<16xi32>
    %add3A_1108 = arith.constant 3 : i32
    %add3A_1109 = vector.broadcast %add3A_1108 : i32 to vector<16xi32>
    %add3A_1110 = arith.addi %select_n3A_1097, %add3A_1109 : vector<16xi32>
    tpu.vector_store_idx %arg7[%select_n3A_1075, %broadcast_in_dim3A_1107, %add3A_1110], %gather3A_1105 : memref<32x1x12xf32, #tpu.memory_space<vmem>>[vector<16xi32>, vector<16xi32>, vector<16xi32>], vector<16xf32>,
    %iota3A_1111 = tpu.iota {dimensions = array<i32: 0>} : vector<16xi32>
    %add3A_1112 = arith.constant 0 : i32
    %add3A_1113 = vector.broadcast %add3A_1112 : i32 to vector<16xi32>
    %add3A_1114 = arith.addi %iota3A_1111, %add3A_1113 : vector<16xi32>
    %jit3A_1115 = arith.constant 3 : i32
    %div3A_1116 = vector.broadcast %jit3A_1115 : i32 to vector<16xi32>
    %div3A_1117 = arith.divsi %add3A_1114, %div3A_1116 : vector<16xi32>
    %sign3A_1118 = arith.constant 0 : i32
    %sign3A_1119 = vector.broadcast %sign3A_1118 : i32 to vector<16xi32>
    %sign3A_1120 = arith.cmpi sgt, %add3A_1114, %sign3A_1119 : vector<16xi32>
    %sign3A_1121 = arith.extui %sign3A_1120 : vector<16xi1> to vector<16xi32>
    %sign3A_1122 = arith.constant 0 : i32
    %sign3A_1123 = vector.broadcast %sign3A_1122 : i32 to vector<16xi32>
    %sign3A_1124 = arith.cmpi slt, %add3A_1114, %sign3A_1123 : vector<16xi32>
    %sign3A_1125 = arith.extui %sign3A_1124 : vector<16xi1> to vector<16xi32>
    %sign3A_1126 = arith.subi %sign3A_1121, %sign3A_1125 : vector<16xi32>
    %sign3A_1127 = arith.constant 0 : i32
    %sign3A_1128 = arith.cmpi sgt, %jit3A_1115, %sign3A_1127 : i32
    %sign3A_1129 = arith.extui %sign3A_1128 : i1 to i32
    %sign3A_1130 = arith.constant 0 : i32
    %sign3A_1131 = arith.cmpi slt, %jit3A_1115, %sign3A_1130 : i32
    %sign3A_1132 = arith.extui %sign3A_1131 : i1 to i32
    %sign3A_1133 = arith.subi %sign3A_1129, %sign3A_1132 : i32
    %ne3A_1134 = vector.broadcast %sign3A_1133 : i32 to vector<16xi32>
    %ne3A_1135 = arith.cmpi ne, %sign3A_1126, %ne3A_1134 : vector<16xi32>
    %rem3A_1136 = vector.broadcast %jit3A_1115 : i32 to vector<16xi32>
    %rem3A_1137 = arith.remsi %add3A_1114, %rem3A_1136 : vector<16xi32>
    %ne3A_1138 = arith.constant 0 : i32
    %ne3A_1139 = vector.broadcast %ne3A_1138 : i32 to vector<16xi32>
    %ne3A_1140 = arith.cmpi ne, %rem3A_1137, %ne3A_1139 : vector<16xi32>
    %and3A_1141 = arith.andi %ne3A_1135, %ne3A_1140 : vector<16xi1>
    %sub3A_1142 = arith.constant 1 : i32
    %sub3A_1143 = vector.broadcast %sub3A_1142 : i32 to vector<16xi32>
    %sub3A_1144 = arith.subi %div3A_1117, %sub3A_1143 : vector<16xi32>
    %select_n3A_1145 = arith.select %and3A_1141, %sub3A_1144, %div3A_1117 : vector<16xi1>, vector<16xi32>
    %jit3A_1146 = arith.constant 3 : i32
    %eq3A_1147 = arith.constant 0 : i32
    %eq3A_1148 = arith.cmpi eq, %jit3A_1146, %eq3A_1147 : i32
    %jit3A_1149 = arith.constant 1 : i32
    %select_n3A_1150 = arith.select %eq3A_1148, %jit3A_1149, %jit3A_1146 : i32
    %rem3A_1151 = vector.broadcast %select_n3A_1150 : i32 to vector<16xi32>
    %rem3A_1152 = arith.remsi %add3A_1114, %rem3A_1151 : vector<16xi32>
    %ne3A_1153 = arith.constant 0 : i32
    %ne3A_1154 = vector.broadcast %ne3A_1153 : i32 to vector<16xi32>
    %ne3A_1155 = arith.cmpi ne, %rem3A_1152, %ne3A_1154 : vector<16xi32>
    %lt3A_1156 = arith.constant 0 : i32
    %lt3A_1157 = vector.broadcast %lt3A_1156 : i32 to vector<16xi32>
    %lt3A_1158 = arith.cmpi slt, %rem3A_1152, %lt3A_1157 : vector<16xi32>
    %lt3A_1159 = arith.constant 0 : i32
    %lt3A_1160 = arith.cmpi slt, %select_n3A_1150, %lt3A_1159 : i32
    %ne3A_1161 = vector.broadcast %lt3A_1160 : i1 to vector<16xi1>
    %ne3A_1162 = vector.broadcast %ne3A_1161 : vector<16xi1> to vector<16xi1>
    %ne3A_1163 = arith.xori %lt3A_1158, %ne3A_1162 : vector<16xi1>
    %and3A_1164 = arith.andi %ne3A_1163, %ne3A_1155 : vector<16xi1>
    %add3A_1165 = vector.broadcast %select_n3A_1150 : i32 to vector<16xi32>
    %add3A_1166 = arith.addi %rem3A_1152, %add3A_1165 : vector<16xi32>
    %select_n3A_1167 = arith.select %and3A_1164, %add3A_1166, %rem3A_1152 : vector<16xi1>, vector<16xi32>
    %broadcast_in_dim3A_1168 = vector.broadcast %sub3A_142 : i32 to vector<16xi32>
    %gather3A_1169 = arith.constant 2 : i32
    %gather3A_1170 = arith.constant 0 : i32
    %gather3A_1171 = arith.constant 0 : i32
    %gather3A_1172 = arith.constant 0 : i32
    %gather3A_1173 = tpu.memref_slice %arg6[%gather3A_1169, %gather3A_1170, %gather3A_1171, %gather3A_1172] : memref<4x3x32x128xf32, #tpu.memory_space<vmem>> -> memref<1x3x32x128xf32, #tpu.memory_space<vmem>>
    %gather3A_1174 = tpu.memref_squeeze %gather3A_1173 : memref<1x3x32x128xf32, #tpu.memory_space<vmem>> -> memref<3x32x128xf32, #tpu.memory_space<vmem>>
    %gather3A_1175 = tpu.vector_load_idx %gather3A_1174[%select_n3A_1167, %select_n3A_1145, %broadcast_in_dim3A_1168] : memref<3x32x128xf32, #tpu.memory_space<vmem>>[vector<16xi32>, vector<16xi32>, vector<16xi32>], vector<16xf32>,
    %broadcast_in_dim3A_1176 = arith.constant 0 : i32
    %broadcast_in_dim3A_1177 = vector.broadcast %broadcast_in_dim3A_1176 : i32 to vector<16xi32>
    %add3A_1178 = arith.constant 6 : i32
    %add3A_1179 = vector.broadcast %add3A_1178 : i32 to vector<16xi32>
    %add3A_1180 = arith.addi %select_n3A_1167, %add3A_1179 : vector<16xi32>
    tpu.vector_store_idx %arg7[%select_n3A_1145, %broadcast_in_dim3A_1177, %add3A_1180], %gather3A_1175 : memref<32x1x12xf32, #tpu.memory_space<vmem>>[vector<16xi32>, vector<16xi32>, vector<16xi32>], vector<16xf32>,
    %iota3A_1181 = tpu.iota {dimensions = array<i32: 0>} : vector<16xi32>
    %add3A_1182 = arith.constant 16 : i32
    %add3A_1183 = vector.broadcast %add3A_1182 : i32 to vector<16xi32>
    %add3A_1184 = arith.addi %iota3A_1181, %add3A_1183 : vector<16xi32>
    %jit3A_1185 = arith.constant 3 : i32
    %div3A_1186 = vector.broadcast %jit3A_1185 : i32 to vector<16xi32>
    %div3A_1187 = arith.divsi %add3A_1184, %div3A_1186 : vector<16xi32>
    %sign3A_1188 = arith.constant 0 : i32
    %sign3A_1189 = vector.broadcast %sign3A_1188 : i32 to vector<16xi32>
    %sign3A_1190 = arith.cmpi sgt, %add3A_1184, %sign3A_1189 : vector<16xi32>
    %sign3A_1191 = arith.extui %sign3A_1190 : vector<16xi1> to vector<16xi32>
    %sign3A_1192 = arith.constant 0 : i32
    %sign3A_1193 = vector.broadcast %sign3A_1192 : i32 to vector<16xi32>
    %sign3A_1194 = arith.cmpi slt, %add3A_1184, %sign3A_1193 : vector<16xi32>
    %sign3A_1195 = arith.extui %sign3A_1194 : vector<16xi1> to vector<16xi32>
    %sign3A_1196 = arith.subi %sign3A_1191, %sign3A_1195 : vector<16xi32>
    %sign3A_1197 = arith.constant 0 : i32
    %sign3A_1198 = arith.cmpi sgt, %jit3A_1185, %sign3A_1197 : i32
    %sign3A_1199 = arith.extui %sign3A_1198 : i1 to i32
    %sign3A_1200 = arith.constant 0 : i32
    %sign3A_1201 = arith.cmpi slt, %jit3A_1185, %sign3A_1200 : i32
    %sign3A_1202 = arith.extui %sign3A_1201 : i1 to i32
    %sign3A_1203 = arith.subi %sign3A_1199, %sign3A_1202 : i32
    %ne3A_1204 = vector.broadcast %sign3A_1203 : i32 to vector<16xi32>
    %ne3A_1205 = arith.cmpi ne, %sign3A_1196, %ne3A_1204 : vector<16xi32>
    %rem3A_1206 = vector.broadcast %jit3A_1185 : i32 to vector<16xi32>
    %rem3A_1207 = arith.remsi %add3A_1184, %rem3A_1206 : vector<16xi32>
    %ne3A_1208 = arith.constant 0 : i32
    %ne3A_1209 = vector.broadcast %ne3A_1208 : i32 to vector<16xi32>
    %ne3A_1210 = arith.cmpi ne, %rem3A_1207, %ne3A_1209 : vector<16xi32>
    %and3A_1211 = arith.andi %ne3A_1205, %ne3A_1210 : vector<16xi1>
    %sub3A_1212 = arith.constant 1 : i32
    %sub3A_1213 = vector.broadcast %sub3A_1212 : i32 to vector<16xi32>
    %sub3A_1214 = arith.subi %div3A_1187, %sub3A_1213 : vector<16xi32>
    %select_n3A_1215 = arith.select %and3A_1211, %sub3A_1214, %div3A_1187 : vector<16xi1>, vector<16xi32>
    %jit3A_1216 = arith.constant 3 : i32
    %eq3A_1217 = arith.constant 0 : i32
    %eq3A_1218 = arith.cmpi eq, %jit3A_1216, %eq3A_1217 : i32
    %jit3A_1219 = arith.constant 1 : i32
    %select_n3A_1220 = arith.select %eq3A_1218, %jit3A_1219, %jit3A_1216 : i32
    %rem3A_1221 = vector.broadcast %select_n3A_1220 : i32 to vector<16xi32>
    %rem3A_1222 = arith.remsi %add3A_1184, %rem3A_1221 : vector<16xi32>
    %ne3A_1223 = arith.constant 0 : i32
    %ne3A_1224 = vector.broadcast %ne3A_1223 : i32 to vector<16xi32>
    %ne3A_1225 = arith.cmpi ne, %rem3A_1222, %ne3A_1224 : vector<16xi32>
    %lt3A_1226 = arith.constant 0 : i32
    %lt3A_1227 = vector.broadcast %lt3A_1226 : i32 to vector<16xi32>
    %lt3A_1228 = arith.cmpi slt, %rem3A_1222, %lt3A_1227 : vector<16xi32>
    %lt3A_1229 = arith.constant 0 : i32
    %lt3A_1230 = arith.cmpi slt, %select_n3A_1220, %lt3A_1229 : i32
    %ne3A_1231 = vector.broadcast %lt3A_1230 : i1 to vector<16xi1>
    %ne3A_1232 = vector.broadcast %ne3A_1231 : vector<16xi1> to vector<16xi1>
    %ne3A_1233 = arith.xori %lt3A_1228, %ne3A_1232 : vector<16xi1>
    %and3A_1234 = arith.andi %ne3A_1233, %ne3A_1225 : vector<16xi1>
    %add3A_1235 = vector.broadcast %select_n3A_1220 : i32 to vector<16xi32>
    %add3A_1236 = arith.addi %rem3A_1222, %add3A_1235 : vector<16xi32>
    %select_n3A_1237 = arith.select %and3A_1234, %add3A_1236, %rem3A_1222 : vector<16xi1>, vector<16xi32>
    %broadcast_in_dim3A_1238 = vector.broadcast %sub3A_142 : i32 to vector<16xi32>
    %gather3A_1239 = arith.constant 2 : i32
    %gather3A_1240 = arith.constant 0 : i32
    %gather3A_1241 = arith.constant 0 : i32
    %gather3A_1242 = arith.constant 0 : i32
    %gather3A_1243 = tpu.memref_slice %arg6[%gather3A_1239, %gather3A_1240, %gather3A_1241, %gather3A_1242] : memref<4x3x32x128xf32, #tpu.memory_space<vmem>> -> memref<1x3x32x128xf32, #tpu.memory_space<vmem>>
    %gather3A_1244 = tpu.memref_squeeze %gather3A_1243 : memref<1x3x32x128xf32, #tpu.memory_space<vmem>> -> memref<3x32x128xf32, #tpu.memory_space<vmem>>
    %gather3A_1245 = tpu.vector_load_idx %gather3A_1244[%select_n3A_1237, %select_n3A_1215, %broadcast_in_dim3A_1238] : memref<3x32x128xf32, #tpu.memory_space<vmem>>[vector<16xi32>, vector<16xi32>, vector<16xi32>], vector<16xf32>,
    %broadcast_in_dim3A_1246 = arith.constant 0 : i32
    %broadcast_in_dim3A_1247 = vector.broadcast %broadcast_in_dim3A_1246 : i32 to vector<16xi32>
    %add3A_1248 = arith.constant 6 : i32
    %add3A_1249 = vector.broadcast %add3A_1248 : i32 to vector<16xi32>
    %add3A_1250 = arith.addi %select_n3A_1237, %add3A_1249 : vector<16xi32>
    tpu.vector_store_idx %arg7[%select_n3A_1215, %broadcast_in_dim3A_1247, %add3A_1250], %gather3A_1245 : memref<32x1x12xf32, #tpu.memory_space<vmem>>[vector<16xi32>, vector<16xi32>, vector<16xi32>], vector<16xf32>,
    %iota3A_1251 = tpu.iota {dimensions = array<i32: 0>} : vector<16xi32>
    %add3A_1252 = arith.constant 32 : i32
    %add3A_1253 = vector.broadcast %add3A_1252 : i32 to vector<16xi32>
    %add3A_1254 = arith.addi %iota3A_1251, %add3A_1253 : vector<16xi32>
    %jit3A_1255 = arith.constant 3 : i32
    %div3A_1256 = vector.broadcast %jit3A_1255 : i32 to vector<16xi32>
    %div3A_1257 = arith.divsi %add3A_1254, %div3A_1256 : vector<16xi32>
    %sign3A_1258 = arith.constant 0 : i32
    %sign3A_1259 = vector.broadcast %sign3A_1258 : i32 to vector<16xi32>
    %sign3A_1260 = arith.cmpi sgt, %add3A_1254, %sign3A_1259 : vector<16xi32>
    %sign3A_1261 = arith.extui %sign3A_1260 : vector<16xi1> to vector<16xi32>
    %sign3A_1262 = arith.constant 0 : i32
    %sign3A_1263 = vector.broadcast %sign3A_1262 : i32 to vector<16xi32>
    %sign3A_1264 = arith.cmpi slt, %add3A_1254, %sign3A_1263 : vector<16xi32>
    %sign3A_1265 = arith.extui %sign3A_1264 : vector<16xi1> to vector<16xi32>
    %sign3A_1266 = arith.subi %sign3A_1261, %sign3A_1265 : vector<16xi32>
    %sign3A_1267 = arith.constant 0 : i32
    %sign3A_1268 = arith.cmpi sgt, %jit3A_1255, %sign3A_1267 : i32
    %sign3A_1269 = arith.extui %sign3A_1268 : i1 to i32
    %sign3A_1270 = arith.constant 0 : i32
    %sign3A_1271 = arith.cmpi slt, %jit3A_1255, %sign3A_1270 : i32
    %sign3A_1272 = arith.extui %sign3A_1271 : i1 to i32
    %sign3A_1273 = arith.subi %sign3A_1269, %sign3A_1272 : i32
    %ne3A_1274 = vector.broadcast %sign3A_1273 : i32 to vector<16xi32>
    %ne3A_1275 = arith.cmpi ne, %sign3A_1266, %ne3A_1274 : vector<16xi32>
    %rem3A_1276 = vector.broadcast %jit3A_1255 : i32 to vector<16xi32>
    %rem3A_1277 = arith.remsi %add3A_1254, %rem3A_1276 : vector<16xi32>
    %ne3A_1278 = arith.constant 0 : i32
    %ne3A_1279 = vector.broadcast %ne3A_1278 : i32 to vector<16xi32>
    %ne3A_1280 = arith.cmpi ne, %rem3A_1277, %ne3A_1279 : vector<16xi32>
    %and3A_1281 = arith.andi %ne3A_1275, %ne3A_1280 : vector<16xi1>
    %sub3A_1282 = arith.constant 1 : i32
    %sub3A_1283 = vector.broadcast %sub3A_1282 : i32 to vector<16xi32>
    %sub3A_1284 = arith.subi %div3A_1257, %sub3A_1283 : vector<16xi32>
    %select_n3A_1285 = arith.select %and3A_1281, %sub3A_1284, %div3A_1257 : vector<16xi1>, vector<16xi32>
    %jit3A_1286 = arith.constant 3 : i32
    %eq3A_1287 = arith.constant 0 : i32
    %eq3A_1288 = arith.cmpi eq, %jit3A_1286, %eq3A_1287 : i32
    %jit3A_1289 = arith.constant 1 : i32
    %select_n3A_1290 = arith.select %eq3A_1288, %jit3A_1289, %jit3A_1286 : i32
    %rem3A_1291 = vector.broadcast %select_n3A_1290 : i32 to vector<16xi32>
    %rem3A_1292 = arith.remsi %add3A_1254, %rem3A_1291 : vector<16xi32>
    %ne3A_1293 = arith.constant 0 : i32
    %ne3A_1294 = vector.broadcast %ne3A_1293 : i32 to vector<16xi32>
    %ne3A_1295 = arith.cmpi ne, %rem3A_1292, %ne3A_1294 : vector<16xi32>
    %lt3A_1296 = arith.constant 0 : i32
    %lt3A_1297 = vector.broadcast %lt3A_1296 : i32 to vector<16xi32>
    %lt3A_1298 = arith.cmpi slt, %rem3A_1292, %lt3A_1297 : vector<16xi32>
    %lt3A_1299 = arith.constant 0 : i32
    %lt3A_1300 = arith.cmpi slt, %select_n3A_1290, %lt3A_1299 : i32
    %ne3A_1301 = vector.broadcast %lt3A_1300 : i1 to vector<16xi1>
    %ne3A_1302 = vector.broadcast %ne3A_1301 : vector<16xi1> to vector<16xi1>
    %ne3A_1303 = arith.xori %lt3A_1298, %ne3A_1302 : vector<16xi1>
    %and3A_1304 = arith.andi %ne3A_1303, %ne3A_1295 : vector<16xi1>
    %add3A_1305 = vector.broadcast %select_n3A_1290 : i32 to vector<16xi32>
    %add3A_1306 = arith.addi %rem3A_1292, %add3A_1305 : vector<16xi32>
    %select_n3A_1307 = arith.select %and3A_1304, %add3A_1306, %rem3A_1292 : vector<16xi1>, vector<16xi32>
    %broadcast_in_dim3A_1308 = vector.broadcast %sub3A_142 : i32 to vector<16xi32>
    %gather3A_1309 = arith.constant 2 : i32
    %gather3A_1310 = arith.constant 0 : i32
    %gather3A_1311 = arith.constant 0 : i32
    %gather3A_1312 = arith.constant 0 : i32
    %gather3A_1313 = tpu.memref_slice %arg6[%gather3A_1309, %gather3A_1310, %gather3A_1311, %gather3A_1312] : memref<4x3x32x128xf32, #tpu.memory_space<vmem>> -> memref<1x3x32x128xf32, #tpu.memory_space<vmem>>
    %gather3A_1314 = tpu.memref_squeeze %gather3A_1313 : memref<1x3x32x128xf32, #tpu.memory_space<vmem>> -> memref<3x32x128xf32, #tpu.memory_space<vmem>>
    %gather3A_1315 = tpu.vector_load_idx %gather3A_1314[%select_n3A_1307, %select_n3A_1285, %broadcast_in_dim3A_1308] : memref<3x32x128xf32, #tpu.memory_space<vmem>>[vector<16xi32>, vector<16xi32>, vector<16xi32>], vector<16xf32>,
    %broadcast_in_dim3A_1316 = arith.constant 0 : i32
    %broadcast_in_dim3A_1317 = vector.broadcast %broadcast_in_dim3A_1316 : i32 to vector<16xi32>
    %add3A_1318 = arith.constant 6 : i32
    %add3A_1319 = vector.broadcast %add3A_1318 : i32 to vector<16xi32>
    %add3A_1320 = arith.addi %select_n3A_1307, %add3A_1319 : vector<16xi32>
    tpu.vector_store_idx %arg7[%select_n3A_1285, %broadcast_in_dim3A_1317, %add3A_1320], %gather3A_1315 : memref<32x1x12xf32, #tpu.memory_space<vmem>>[vector<16xi32>, vector<16xi32>, vector<16xi32>], vector<16xf32>,
    %iota3A_1321 = tpu.iota {dimensions = array<i32: 0>} : vector<16xi32>
    %add3A_1322 = arith.constant 48 : i32
    %add3A_1323 = vector.broadcast %add3A_1322 : i32 to vector<16xi32>
    %add3A_1324 = arith.addi %iota3A_1321, %add3A_1323 : vector<16xi32>
    %jit3A_1325 = arith.constant 3 : i32
    %div3A_1326 = vector.broadcast %jit3A_1325 : i32 to vector<16xi32>
    %div3A_1327 = arith.divsi %add3A_1324, %div3A_1326 : vector<16xi32>
    %sign3A_1328 = arith.constant 0 : i32
    %sign3A_1329 = vector.broadcast %sign3A_1328 : i32 to vector<16xi32>
    %sign3A_1330 = arith.cmpi sgt, %add3A_1324, %sign3A_1329 : vector<16xi32>
    %sign3A_1331 = arith.extui %sign3A_1330 : vector<16xi1> to vector<16xi32>
    %sign3A_1332 = arith.constant 0 : i32
    %sign3A_1333 = vector.broadcast %sign3A_1332 : i32 to vector<16xi32>
    %sign3A_1334 = arith.cmpi slt, %add3A_1324, %sign3A_1333 : vector<16xi32>
    %sign3A_1335 = arith.extui %sign3A_1334 : vector<16xi1> to vector<16xi32>
    %sign3A_1336 = arith.subi %sign3A_1331, %sign3A_1335 : vector<16xi32>
    %sign3A_1337 = arith.constant 0 : i32
    %sign3A_1338 = arith.cmpi sgt, %jit3A_1325, %sign3A_1337 : i32
    %sign3A_1339 = arith.extui %sign3A_1338 : i1 to i32
    %sign3A_1340 = arith.constant 0 : i32
    %sign3A_1341 = arith.cmpi slt, %jit3A_1325, %sign3A_1340 : i32
    %sign3A_1342 = arith.extui %sign3A_1341 : i1 to i32
    %sign3A_1343 = arith.subi %sign3A_1339, %sign3A_1342 : i32
    %ne3A_1344 = vector.broadcast %sign3A_1343 : i32 to vector<16xi32>
    %ne3A_1345 = arith.cmpi ne, %sign3A_1336, %ne3A_1344 : vector<16xi32>
    %rem3A_1346 = vector.broadcast %jit3A_1325 : i32 to vector<16xi32>
    %rem3A_1347 = arith.remsi %add3A_1324, %rem3A_1346 : vector<16xi32>
    %ne3A_1348 = arith.constant 0 : i32
    %ne3A_1349 = vector.broadcast %ne3A_1348 : i32 to vector<16xi32>
    %ne3A_1350 = arith.cmpi ne, %rem3A_1347, %ne3A_1349 : vector<16xi32>
    %and3A_1351 = arith.andi %ne3A_1345, %ne3A_1350 : vector<16xi1>
    %sub3A_1352 = arith.constant 1 : i32
    %sub3A_1353 = vector.broadcast %sub3A_1352 : i32 to vector<16xi32>
    %sub3A_1354 = arith.subi %div3A_1327, %sub3A_1353 : vector<16xi32>
    %select_n3A_1355 = arith.select %and3A_1351, %sub3A_1354, %div3A_1327 : vector<16xi1>, vector<16xi32>
    %jit3A_1356 = arith.constant 3 : i32
    %eq3A_1357 = arith.constant 0 : i32
    %eq3A_1358 = arith.cmpi eq, %jit3A_1356, %eq3A_1357 : i32
    %jit3A_1359 = arith.constant 1 : i32
    %select_n3A_1360 = arith.select %eq3A_1358, %jit3A_1359, %jit3A_1356 : i32
    %rem3A_1361 = vector.broadcast %select_n3A_1360 : i32 to vector<16xi32>
    %rem3A_1362 = arith.remsi %add3A_1324, %rem3A_1361 : vector<16xi32>
    %ne3A_1363 = arith.constant 0 : i32
    %ne3A_1364 = vector.broadcast %ne3A_1363 : i32 to vector<16xi32>
    %ne3A_1365 = arith.cmpi ne, %rem3A_1362, %ne3A_1364 : vector<16xi32>
    %lt3A_1366 = arith.constant 0 : i32
    %lt3A_1367 = vector.broadcast %lt3A_1366 : i32 to vector<16xi32>
    %lt3A_1368 = arith.cmpi slt, %rem3A_1362, %lt3A_1367 : vector<16xi32>
    %lt3A_1369 = arith.constant 0 : i32
    %lt3A_1370 = arith.cmpi slt, %select_n3A_1360, %lt3A_1369 : i32
    %ne3A_1371 = vector.broadcast %lt3A_1370 : i1 to vector<16xi1>
    %ne3A_1372 = vector.broadcast %ne3A_1371 : vector<16xi1> to vector<16xi1>
    %ne3A_1373 = arith.xori %lt3A_1368, %ne3A_1372 : vector<16xi1>
    %and3A_1374 = arith.andi %ne3A_1373, %ne3A_1365 : vector<16xi1>
    %add3A_1375 = vector.broadcast %select_n3A_1360 : i32 to vector<16xi32>
    %add3A_1376 = arith.addi %rem3A_1362, %add3A_1375 : vector<16xi32>
    %select_n3A_1377 = arith.select %and3A_1374, %add3A_1376, %rem3A_1362 : vector<16xi1>, vector<16xi32>
    %broadcast_in_dim3A_1378 = vector.broadcast %sub3A_142 : i32 to vector<16xi32>
    %gather3A_1379 = arith.constant 2 : i32
    %gather3A_1380 = arith.constant 0 : i32
    %gather3A_1381 = arith.constant 0 : i32
    %gather3A_1382 = arith.constant 0 : i32
    %gather3A_1383 = tpu.memref_slice %arg6[%gather3A_1379, %gather3A_1380, %gather3A_1381, %gather3A_1382] : memref<4x3x32x128xf32, #tpu.memory_space<vmem>> -> memref<1x3x32x128xf32, #tpu.memory_space<vmem>>
    %gather3A_1384 = tpu.memref_squeeze %gather3A_1383 : memref<1x3x32x128xf32, #tpu.memory_space<vmem>> -> memref<3x32x128xf32, #tpu.memory_space<vmem>>
    %gather3A_1385 = tpu.vector_load_idx %gather3A_1384[%select_n3A_1377, %select_n3A_1355, %broadcast_in_dim3A_1378] : memref<3x32x128xf32, #tpu.memory_space<vmem>>[vector<16xi32>, vector<16xi32>, vector<16xi32>], vector<16xf32>,
    %broadcast_in_dim3A_1386 = arith.constant 0 : i32
    %broadcast_in_dim3A_1387 = vector.broadcast %broadcast_in_dim3A_1386 : i32 to vector<16xi32>
    %add3A_1388 = arith.constant 6 : i32
    %add3A_1389 = vector.broadcast %add3A_1388 : i32 to vector<16xi32>
    %add3A_1390 = arith.addi %select_n3A_1377, %add3A_1389 : vector<16xi32>
    tpu.vector_store_idx %arg7[%select_n3A_1355, %broadcast_in_dim3A_1387, %add3A_1390], %gather3A_1385 : memref<32x1x12xf32, #tpu.memory_space<vmem>>[vector<16xi32>, vector<16xi32>, vector<16xi32>], vector<16xf32>,
    %iota3A_1391 = tpu.iota {dimensions = array<i32: 0>} : vector<16xi32>
    %add3A_1392 = arith.constant 64 : i32
    %add3A_1393 = vector.broadcast %add3A_1392 : i32 to vector<16xi32>
    %add3A_1394 = arith.addi %iota3A_1391, %add3A_1393 : vector<16xi32>
    %jit3A_1395 = arith.constant 3 : i32
    %div3A_1396 = vector.broadcast %jit3A_1395 : i32 to vector<16xi32>
    %div3A_1397 = arith.divsi %add3A_1394, %div3A_1396 : vector<16xi32>
    %sign3A_1398 = arith.constant 0 : i32
    %sign3A_1399 = vector.broadcast %sign3A_1398 : i32 to vector<16xi32>
    %sign3A_1400 = arith.cmpi sgt, %add3A_1394, %sign3A_1399 : vector<16xi32>
    %sign3A_1401 = arith.extui %sign3A_1400 : vector<16xi1> to vector<16xi32>
    %sign3A_1402 = arith.constant 0 : i32
    %sign3A_1403 = vector.broadcast %sign3A_1402 : i32 to vector<16xi32>
    %sign3A_1404 = arith.cmpi slt, %add3A_1394, %sign3A_1403 : vector<16xi32>
    %sign3A_1405 = arith.extui %sign3A_1404 : vector<16xi1> to vector<16xi32>
    %sign3A_1406 = arith.subi %sign3A_1401, %sign3A_1405 : vector<16xi32>
    %sign3A_1407 = arith.constant 0 : i32
    %sign3A_1408 = arith.cmpi sgt, %jit3A_1395, %sign3A_1407 : i32
    %sign3A_1409 = arith.extui %sign3A_1408 : i1 to i32
    %sign3A_1410 = arith.constant 0 : i32
    %sign3A_1411 = arith.cmpi slt, %jit3A_1395, %sign3A_1410 : i32
    %sign3A_1412 = arith.extui %sign3A_1411 : i1 to i32
    %sign3A_1413 = arith.subi %sign3A_1409, %sign3A_1412 : i32
    %ne3A_1414 = vector.broadcast %sign3A_1413 : i32 to vector<16xi32>
    %ne3A_1415 = arith.cmpi ne, %sign3A_1406, %ne3A_1414 : vector<16xi32>
    %rem3A_1416 = vector.broadcast %jit3A_1395 : i32 to vector<16xi32>
    %rem3A_1417 = arith.remsi %add3A_1394, %rem3A_1416 : vector<16xi32>
    %ne3A_1418 = arith.constant 0 : i32
    %ne3A_1419 = vector.broadcast %ne3A_1418 : i32 to vector<16xi32>
    %ne3A_1420 = arith.cmpi ne, %rem3A_1417, %ne3A_1419 : vector<16xi32>
    %and3A_1421 = arith.andi %ne3A_1415, %ne3A_1420 : vector<16xi1>
    %sub3A_1422 = arith.constant 1 : i32
    %sub3A_1423 = vector.broadcast %sub3A_1422 : i32 to vector<16xi32>
    %sub3A_1424 = arith.subi %div3A_1397, %sub3A_1423 : vector<16xi32>
    %select_n3A_1425 = arith.select %and3A_1421, %sub3A_1424, %div3A_1397 : vector<16xi1>, vector<16xi32>
    %jit3A_1426 = arith.constant 3 : i32
    %eq3A_1427 = arith.constant 0 : i32
    %eq3A_1428 = arith.cmpi eq, %jit3A_1426, %eq3A_1427 : i32
    %jit3A_1429 = arith.constant 1 : i32
    %select_n3A_1430 = arith.select %eq3A_1428, %jit3A_1429, %jit3A_1426 : i32
    %rem3A_1431 = vector.broadcast %select_n3A_1430 : i32 to vector<16xi32>
    %rem3A_1432 = arith.remsi %add3A_1394, %rem3A_1431 : vector<16xi32>
    %ne3A_1433 = arith.constant 0 : i32
    %ne3A_1434 = vector.broadcast %ne3A_1433 : i32 to vector<16xi32>
    %ne3A_1435 = arith.cmpi ne, %rem3A_1432, %ne3A_1434 : vector<16xi32>
    %lt3A_1436 = arith.constant 0 : i32
    %lt3A_1437 = vector.broadcast %lt3A_1436 : i32 to vector<16xi32>
    %lt3A_1438 = arith.cmpi slt, %rem3A_1432, %lt3A_1437 : vector<16xi32>
    %lt3A_1439 = arith.constant 0 : i32
    %lt3A_1440 = arith.cmpi slt, %select_n3A_1430, %lt3A_1439 : i32
    %ne3A_1441 = vector.broadcast %lt3A_1440 : i1 to vector<16xi1>
    %ne3A_1442 = vector.broadcast %ne3A_1441 : vector<16xi1> to vector<16xi1>
    %ne3A_1443 = arith.xori %lt3A_1438, %ne3A_1442 : vector<16xi1>
    %and3A_1444 = arith.andi %ne3A_1443, %ne3A_1435 : vector<16xi1>
    %add3A_1445 = vector.broadcast %select_n3A_1430 : i32 to vector<16xi32>
    %add3A_1446 = arith.addi %rem3A_1432, %add3A_1445 : vector<16xi32>
    %select_n3A_1447 = arith.select %and3A_1444, %add3A_1446, %rem3A_1432 : vector<16xi1>, vector<16xi32>
    %broadcast_in_dim3A_1448 = vector.broadcast %sub3A_142 : i32 to vector<16xi32>
    %gather3A_1449 = arith.constant 2 : i32
    %gather3A_1450 = arith.constant 0 : i32
    %gather3A_1451 = arith.constant 0 : i32
    %gather3A_1452 = arith.constant 0 : i32
    %gather3A_1453 = tpu.memref_slice %arg6[%gather3A_1449, %gather3A_1450, %gather3A_1451, %gather3A_1452] : memref<4x3x32x128xf32, #tpu.memory_space<vmem>> -> memref<1x3x32x128xf32, #tpu.memory_space<vmem>>
    %gather3A_1454 = tpu.memref_squeeze %gather3A_1453 : memref<1x3x32x128xf32, #tpu.memory_space<vmem>> -> memref<3x32x128xf32, #tpu.memory_space<vmem>>
    %gather3A_1455 = tpu.vector_load_idx %gather3A_1454[%select_n3A_1447, %select_n3A_1425, %broadcast_in_dim3A_1448] : memref<3x32x128xf32, #tpu.memory_space<vmem>>[vector<16xi32>, vector<16xi32>, vector<16xi32>], vector<16xf32>,
    %broadcast_in_dim3A_1456 = arith.constant 0 : i32
    %broadcast_in_dim3A_1457 = vector.broadcast %broadcast_in_dim3A_1456 : i32 to vector<16xi32>
    %add3A_1458 = arith.constant 6 : i32
    %add3A_1459 = vector.broadcast %add3A_1458 : i32 to vector<16xi32>
    %add3A_1460 = arith.addi %select_n3A_1447, %add3A_1459 : vector<16xi32>
    tpu.vector_store_idx %arg7[%select_n3A_1425, %broadcast_in_dim3A_1457, %add3A_1460], %gather3A_1455 : memref<32x1x12xf32, #tpu.memory_space<vmem>>[vector<16xi32>, vector<16xi32>, vector<16xi32>], vector<16xf32>,
    %iota3A_1461 = tpu.iota {dimensions = array<i32: 0>} : vector<16xi32>
    %add3A_1462 = arith.constant 80 : i32
    %add3A_1463 = vector.broadcast %add3A_1462 : i32 to vector<16xi32>
    %add3A_1464 = arith.addi %iota3A_1461, %add3A_1463 : vector<16xi32>
    %jit3A_1465 = arith.constant 3 : i32
    %div3A_1466 = vector.broadcast %jit3A_1465 : i32 to vector<16xi32>
    %div3A_1467 = arith.divsi %add3A_1464, %div3A_1466 : vector<16xi32>
    %sign3A_1468 = arith.constant 0 : i32
    %sign3A_1469 = vector.broadcast %sign3A_1468 : i32 to vector<16xi32>
    %sign3A_1470 = arith.cmpi sgt, %add3A_1464, %sign3A_1469 : vector<16xi32>
    %sign3A_1471 = arith.extui %sign3A_1470 : vector<16xi1> to vector<16xi32>
    %sign3A_1472 = arith.constant 0 : i32
    %sign3A_1473 = vector.broadcast %sign3A_1472 : i32 to vector<16xi32>
    %sign3A_1474 = arith.cmpi slt, %add3A_1464, %sign3A_1473 : vector<16xi32>
    %sign3A_1475 = arith.extui %sign3A_1474 : vector<16xi1> to vector<16xi32>
    %sign3A_1476 = arith.subi %sign3A_1471, %sign3A_1475 : vector<16xi32>
    %sign3A_1477 = arith.constant 0 : i32
    %sign3A_1478 = arith.cmpi sgt, %jit3A_1465, %sign3A_1477 : i32
    %sign3A_1479 = arith.extui %sign3A_1478 : i1 to i32
    %sign3A_1480 = arith.constant 0 : i32
    %sign3A_1481 = arith.cmpi slt, %jit3A_1465, %sign3A_1480 : i32
    %sign3A_1482 = arith.extui %sign3A_1481 : i1 to i32
    %sign3A_1483 = arith.subi %sign3A_1479, %sign3A_1482 : i32
    %ne3A_1484 = vector.broadcast %sign3A_1483 : i32 to vector<16xi32>
    %ne3A_1485 = arith.cmpi ne, %sign3A_1476, %ne3A_1484 : vector<16xi32>
    %rem3A_1486 = vector.broadcast %jit3A_1465 : i32 to vector<16xi32>
    %rem3A_1487 = arith.remsi %add3A_1464, %rem3A_1486 : vector<16xi32>
    %ne3A_1488 = arith.constant 0 : i32
    %ne3A_1489 = vector.broadcast %ne3A_1488 : i32 to vector<16xi32>
    %ne3A_1490 = arith.cmpi ne, %rem3A_1487, %ne3A_1489 : vector<16xi32>
    %and3A_1491 = arith.andi %ne3A_1485, %ne3A_1490 : vector<16xi1>
    %sub3A_1492 = arith.constant 1 : i32
    %sub3A_1493 = vector.broadcast %sub3A_1492 : i32 to vector<16xi32>
    %sub3A_1494 = arith.subi %div3A_1467, %sub3A_1493 : vector<16xi32>
    %select_n3A_1495 = arith.select %and3A_1491, %sub3A_1494, %div3A_1467 : vector<16xi1>, vector<16xi32>
    %jit3A_1496 = arith.constant 3 : i32
    %eq3A_1497 = arith.constant 0 : i32
    %eq3A_1498 = arith.cmpi eq, %jit3A_1496, %eq3A_1497 : i32
    %jit3A_1499 = arith.constant 1 : i32
    %select_n3A_1500 = arith.select %eq3A_1498, %jit3A_1499, %jit3A_1496 : i32
    %rem3A_1501 = vector.broadcast %select_n3A_1500 : i32 to vector<16xi32>
    %rem3A_1502 = arith.remsi %add3A_1464, %rem3A_1501 : vector<16xi32>
    %ne3A_1503 = arith.constant 0 : i32
    %ne3A_1504 = vector.broadcast %ne3A_1503 : i32 to vector<16xi32>
    %ne3A_1505 = arith.cmpi ne, %rem3A_1502, %ne3A_1504 : vector<16xi32>
    %lt3A_1506 = arith.constant 0 : i32
    %lt3A_1507 = vector.broadcast %lt3A_1506 : i32 to vector<16xi32>
    %lt3A_1508 = arith.cmpi slt, %rem3A_1502, %lt3A_1507 : vector<16xi32>
    %lt3A_1509 = arith.constant 0 : i32
    %lt3A_1510 = arith.cmpi slt, %select_n3A_1500, %lt3A_1509 : i32
    %ne3A_1511 = vector.broadcast %lt3A_1510 : i1 to vector<16xi1>
    %ne3A_1512 = vector.broadcast %ne3A_1511 : vector<16xi1> to vector<16xi1>
    %ne3A_1513 = arith.xori %lt3A_1508, %ne3A_1512 : vector<16xi1>
    %and3A_1514 = arith.andi %ne3A_1513, %ne3A_1505 : vector<16xi1>
    %add3A_1515 = vector.broadcast %select_n3A_1500 : i32 to vector<16xi32>
    %add3A_1516 = arith.addi %rem3A_1502, %add3A_1515 : vector<16xi32>
    %select_n3A_1517 = arith.select %and3A_1514, %add3A_1516, %rem3A_1502 : vector<16xi1>, vector<16xi32>
    %broadcast_in_dim3A_1518 = vector.broadcast %sub3A_142 : i32 to vector<16xi32>
    %gather3A_1519 = arith.constant 2 : i32
    %gather3A_1520 = arith.constant 0 : i32
    %gather3A_1521 = arith.constant 0 : i32
    %gather3A_1522 = arith.constant 0 : i32
    %gather3A_1523 = tpu.memref_slice %arg6[%gather3A_1519, %gather3A_1520, %gather3A_1521, %gather3A_1522] : memref<4x3x32x128xf32, #tpu.memory_space<vmem>> -> memref<1x3x32x128xf32, #tpu.memory_space<vmem>>
    %gather3A_1524 = tpu.memref_squeeze %gather3A_1523 : memref<1x3x32x128xf32, #tpu.memory_space<vmem>> -> memref<3x32x128xf32, #tpu.memory_space<vmem>>
    %gather3A_1525 = tpu.vector_load_idx %gather3A_1524[%select_n3A_1517, %select_n3A_1495, %broadcast_in_dim3A_1518] : memref<3x32x128xf32, #tpu.memory_space<vmem>>[vector<16xi32>, vector<16xi32>, vector<16xi32>], vector<16xf32>,
    %broadcast_in_dim3A_1526 = arith.constant 0 : i32
    %broadcast_in_dim3A_1527 = vector.broadcast %broadcast_in_dim3A_1526 : i32 to vector<16xi32>
    %add3A_1528 = arith.constant 6 : i32
    %add3A_1529 = vector.broadcast %add3A_1528 : i32 to vector<16xi32>
    %add3A_1530 = arith.addi %select_n3A_1517, %add3A_1529 : vector<16xi32>
    tpu.vector_store_idx %arg7[%select_n3A_1495, %broadcast_in_dim3A_1527, %add3A_1530], %gather3A_1525 : memref<32x1x12xf32, #tpu.memory_space<vmem>>[vector<16xi32>, vector<16xi32>, vector<16xi32>], vector<16xf32>,
    %iota3A_1531 = tpu.iota {dimensions = array<i32: 0>} : vector<16xi32>
    %add3A_1532 = arith.constant 0 : i32
    %add3A_1533 = vector.broadcast %add3A_1532 : i32 to vector<16xi32>
    %add3A_1534 = arith.addi %iota3A_1531, %add3A_1533 : vector<16xi32>
    %jit3A_1535 = arith.constant 3 : i32
    %div3A_1536 = vector.broadcast %jit3A_1535 : i32 to vector<16xi32>
    %div3A_1537 = arith.divsi %add3A_1534, %div3A_1536 : vector<16xi32>
    %sign3A_1538 = arith.constant 0 : i32
    %sign3A_1539 = vector.broadcast %sign3A_1538 : i32 to vector<16xi32>
    %sign3A_1540 = arith.cmpi sgt, %add3A_1534, %sign3A_1539 : vector<16xi32>
    %sign3A_1541 = arith.extui %sign3A_1540 : vector<16xi1> to vector<16xi32>
    %sign3A_1542 = arith.constant 0 : i32
    %sign3A_1543 = vector.broadcast %sign3A_1542 : i32 to vector<16xi32>
    %sign3A_1544 = arith.cmpi slt, %add3A_1534, %sign3A_1543 : vector<16xi32>
    %sign3A_1545 = arith.extui %sign3A_1544 : vector<16xi1> to vector<16xi32>
    %sign3A_1546 = arith.subi %sign3A_1541, %sign3A_1545 : vector<16xi32>
    %sign3A_1547 = arith.constant 0 : i32
    %sign3A_1548 = arith.cmpi sgt, %jit3A_1535, %sign3A_1547 : i32
    %sign3A_1549 = arith.extui %sign3A_1548 : i1 to i32
    %sign3A_1550 = arith.constant 0 : i32
    %sign3A_1551 = arith.cmpi slt, %jit3A_1535, %sign3A_1550 : i32
    %sign3A_1552 = arith.extui %sign3A_1551 : i1 to i32
    %sign3A_1553 = arith.subi %sign3A_1549, %sign3A_1552 : i32
    %ne3A_1554 = vector.broadcast %sign3A_1553 : i32 to vector<16xi32>
    %ne3A_1555 = arith.cmpi ne, %sign3A_1546, %ne3A_1554 : vector<16xi32>
    %rem3A_1556 = vector.broadcast %jit3A_1535 : i32 to vector<16xi32>
    %rem3A_1557 = arith.remsi %add3A_1534, %rem3A_1556 : vector<16xi32>
    %ne3A_1558 = arith.constant 0 : i32
    %ne3A_1559 = vector.broadcast %ne3A_1558 : i32 to vector<16xi32>
    %ne3A_1560 = arith.cmpi ne, %rem3A_1557, %ne3A_1559 : vector<16xi32>
    %and3A_1561 = arith.andi %ne3A_1555, %ne3A_1560 : vector<16xi1>
    %sub3A_1562 = arith.constant 1 : i32
    %sub3A_1563 = vector.broadcast %sub3A_1562 : i32 to vector<16xi32>
    %sub3A_1564 = arith.subi %div3A_1537, %sub3A_1563 : vector<16xi32>
    %select_n3A_1565 = arith.select %and3A_1561, %sub3A_1564, %div3A_1537 : vector<16xi1>, vector<16xi32>
    %jit3A_1566 = arith.constant 3 : i32
    %eq3A_1567 = arith.constant 0 : i32
    %eq3A_1568 = arith.cmpi eq, %jit3A_1566, %eq3A_1567 : i32
    %jit3A_1569 = arith.constant 1 : i32
    %select_n3A_1570 = arith.select %eq3A_1568, %jit3A_1569, %jit3A_1566 : i32
    %rem3A_1571 = vector.broadcast %select_n3A_1570 : i32 to vector<16xi32>
    %rem3A_1572 = arith.remsi %add3A_1534, %rem3A_1571 : vector<16xi32>
    %ne3A_1573 = arith.constant 0 : i32
    %ne3A_1574 = vector.broadcast %ne3A_1573 : i32 to vector<16xi32>
    %ne3A_1575 = arith.cmpi ne, %rem3A_1572, %ne3A_1574 : vector<16xi32>
    %lt3A_1576 = arith.constant 0 : i32
    %lt3A_1577 = vector.broadcast %lt3A_1576 : i32 to vector<16xi32>
    %lt3A_1578 = arith.cmpi slt, %rem3A_1572, %lt3A_1577 : vector<16xi32>
    %lt3A_1579 = arith.constant 0 : i32
    %lt3A_1580 = arith.cmpi slt, %select_n3A_1570, %lt3A_1579 : i32
    %ne3A_1581 = vector.broadcast %lt3A_1580 : i1 to vector<16xi1>
    %ne3A_1582 = vector.broadcast %ne3A_1581 : vector<16xi1> to vector<16xi1>
    %ne3A_1583 = arith.xori %lt3A_1578, %ne3A_1582 : vector<16xi1>
    %and3A_1584 = arith.andi %ne3A_1583, %ne3A_1575 : vector<16xi1>
    %add3A_1585 = vector.broadcast %select_n3A_1570 : i32 to vector<16xi32>
    %add3A_1586 = arith.addi %rem3A_1572, %add3A_1585 : vector<16xi32>
    %select_n3A_1587 = arith.select %and3A_1584, %add3A_1586, %rem3A_1572 : vector<16xi1>, vector<16xi32>
    %broadcast_in_dim3A_1588 = vector.broadcast %sub3A_199 : i32 to vector<16xi32>
    %gather3A_1589 = arith.constant 3 : i32
    %gather3A_1590 = arith.constant 0 : i32
    %gather3A_1591 = arith.constant 0 : i32
    %gather3A_1592 = arith.constant 0 : i32
    %gather3A_1593 = tpu.memref_slice %arg6[%gather3A_1589, %gather3A_1590, %gather3A_1591, %gather3A_1592] : memref<4x3x32x128xf32, #tpu.memory_space<vmem>> -> memref<1x3x32x128xf32, #tpu.memory_space<vmem>>
    %gather3A_1594 = tpu.memref_squeeze %gather3A_1593 : memref<1x3x32x128xf32, #tpu.memory_space<vmem>> -> memref<3x32x128xf32, #tpu.memory_space<vmem>>
    %gather3A_1595 = tpu.vector_load_idx %gather3A_1594[%select_n3A_1587, %select_n3A_1565, %broadcast_in_dim3A_1588] : memref<3x32x128xf32, #tpu.memory_space<vmem>>[vector<16xi32>, vector<16xi32>, vector<16xi32>], vector<16xf32>,
    %broadcast_in_dim3A_1596 = arith.constant 0 : i32
    %broadcast_in_dim3A_1597 = vector.broadcast %broadcast_in_dim3A_1596 : i32 to vector<16xi32>
    %add3A_1598 = arith.constant 9 : i32
    %add3A_1599 = vector.broadcast %add3A_1598 : i32 to vector<16xi32>
    %add3A_1600 = arith.addi %select_n3A_1587, %add3A_1599 : vector<16xi32>
    tpu.vector_store_idx %arg7[%select_n3A_1565, %broadcast_in_dim3A_1597, %add3A_1600], %gather3A_1595 : memref<32x1x12xf32, #tpu.memory_space<vmem>>[vector<16xi32>, vector<16xi32>, vector<16xi32>], vector<16xf32>,
    %iota3A_1601 = tpu.iota {dimensions = array<i32: 0>} : vector<16xi32>
    %add3A_1602 = arith.constant 16 : i32
    %add3A_1603 = vector.broadcast %add3A_1602 : i32 to vector<16xi32>
    %add3A_1604 = arith.addi %iota3A_1601, %add3A_1603 : vector<16xi32>
    %jit3A_1605 = arith.constant 3 : i32
    %div3A_1606 = vector.broadcast %jit3A_1605 : i32 to vector<16xi32>
    %div3A_1607 = arith.divsi %add3A_1604, %div3A_1606 : vector<16xi32>
    %sign3A_1608 = arith.constant 0 : i32
    %sign3A_1609 = vector.broadcast %sign3A_1608 : i32 to vector<16xi32>
    %sign3A_1610 = arith.cmpi sgt, %add3A_1604, %sign3A_1609 : vector<16xi32>
    %sign3A_1611 = arith.extui %sign3A_1610 : vector<16xi1> to vector<16xi32>
    %sign3A_1612 = arith.constant 0 : i32
    %sign3A_1613 = vector.broadcast %sign3A_1612 : i32 to vector<16xi32>
    %sign3A_1614 = arith.cmpi slt, %add3A_1604, %sign3A_1613 : vector<16xi32>
    %sign3A_1615 = arith.extui %sign3A_1614 : vector<16xi1> to vector<16xi32>
    %sign3A_1616 = arith.subi %sign3A_1611, %sign3A_1615 : vector<16xi32>
    %sign3A_1617 = arith.constant 0 : i32
    %sign3A_1618 = arith.cmpi sgt, %jit3A_1605, %sign3A_1617 : i32
    %sign3A_1619 = arith.extui %sign3A_1618 : i1 to i32
    %sign3A_1620 = arith.constant 0 : i32
    %sign3A_1621 = arith.cmpi slt, %jit3A_1605, %sign3A_1620 : i32
    %sign3A_1622 = arith.extui %sign3A_1621 : i1 to i32
    %sign3A_1623 = arith.subi %sign3A_1619, %sign3A_1622 : i32
    %ne3A_1624 = vector.broadcast %sign3A_1623 : i32 to vector<16xi32>
    %ne3A_1625 = arith.cmpi ne, %sign3A_1616, %ne3A_1624 : vector<16xi32>
    %rem3A_1626 = vector.broadcast %jit3A_1605 : i32 to vector<16xi32>
    %rem3A_1627 = arith.remsi %add3A_1604, %rem3A_1626 : vector<16xi32>
    %ne3A_1628 = arith.constant 0 : i32
    %ne3A_1629 = vector.broadcast %ne3A_1628 : i32 to vector<16xi32>
    %ne3A_1630 = arith.cmpi ne, %rem3A_1627, %ne3A_1629 : vector<16xi32>
    %and3A_1631 = arith.andi %ne3A_1625, %ne3A_1630 : vector<16xi1>
    %sub3A_1632 = arith.constant 1 : i32
    %sub3A_1633 = vector.broadcast %sub3A_1632 : i32 to vector<16xi32>
    %sub3A_1634 = arith.subi %div3A_1607, %sub3A_1633 : vector<16xi32>
    %select_n3A_1635 = arith.select %and3A_1631, %sub3A_1634, %div3A_1607 : vector<16xi1>, vector<16xi32>
    %jit3A_1636 = arith.constant 3 : i32
    %eq3A_1637 = arith.constant 0 : i32
    %eq3A_1638 = arith.cmpi eq, %jit3A_1636, %eq3A_1637 : i32
    %jit3A_1639 = arith.constant 1 : i32
    %select_n3A_1640 = arith.select %eq3A_1638, %jit3A_1639, %jit3A_1636 : i32
    %rem3A_1641 = vector.broadcast %select_n3A_1640 : i32 to vector<16xi32>
    %rem3A_1642 = arith.remsi %add3A_1604, %rem3A_1641 : vector<16xi32>
    %ne3A_1643 = arith.constant 0 : i32
    %ne3A_1644 = vector.broadcast %ne3A_1643 : i32 to vector<16xi32>
    %ne3A_1645 = arith.cmpi ne, %rem3A_1642, %ne3A_1644 : vector<16xi32>
    %lt3A_1646 = arith.constant 0 : i32
    %lt3A_1647 = vector.broadcast %lt3A_1646 : i32 to vector<16xi32>
    %lt3A_1648 = arith.cmpi slt, %rem3A_1642, %lt3A_1647 : vector<16xi32>
    %lt3A_1649 = arith.constant 0 : i32
    %lt3A_1650 = arith.cmpi slt, %select_n3A_1640, %lt3A_1649 : i32
    %ne3A_1651 = vector.broadcast %lt3A_1650 : i1 to vector<16xi1>
    %ne3A_1652 = vector.broadcast %ne3A_1651 : vector<16xi1> to vector<16xi1>
    %ne3A_1653 = arith.xori %lt3A_1648, %ne3A_1652 : vector<16xi1>
    %and3A_1654 = arith.andi %ne3A_1653, %ne3A_1645 : vector<16xi1>
    %add3A_1655 = vector.broadcast %select_n3A_1640 : i32 to vector<16xi32>
    %add3A_1656 = arith.addi %rem3A_1642, %add3A_1655 : vector<16xi32>
    %select_n3A_1657 = arith.select %and3A_1654, %add3A_1656, %rem3A_1642 : vector<16xi1>, vector<16xi32>
    %broadcast_in_dim3A_1658 = vector.broadcast %sub3A_199 : i32 to vector<16xi32>
    %gather3A_1659 = arith.constant 3 : i32
    %gather3A_1660 = arith.constant 0 : i32
    %gather3A_1661 = arith.constant 0 : i32
    %gather3A_1662 = arith.constant 0 : i32
    %gather3A_1663 = tpu.memref_slice %arg6[%gather3A_1659, %gather3A_1660, %gather3A_1661, %gather3A_1662] : memref<4x3x32x128xf32, #tpu.memory_space<vmem>> -> memref<1x3x32x128xf32, #tpu.memory_space<vmem>>
    %gather3A_1664 = tpu.memref_squeeze %gather3A_1663 : memref<1x3x32x128xf32, #tpu.memory_space<vmem>> -> memref<3x32x128xf32, #tpu.memory_space<vmem>>
    %gather3A_1665 = tpu.vector_load_idx %gather3A_1664[%select_n3A_1657, %select_n3A_1635, %broadcast_in_dim3A_1658] : memref<3x32x128xf32, #tpu.memory_space<vmem>>[vector<16xi32>, vector<16xi32>, vector<16xi32>], vector<16xf32>,
    %broadcast_in_dim3A_1666 = arith.constant 0 : i32
    %broadcast_in_dim3A_1667 = vector.broadcast %broadcast_in_dim3A_1666 : i32 to vector<16xi32>
    %add3A_1668 = arith.constant 9 : i32
    %add3A_1669 = vector.broadcast %add3A_1668 : i32 to vector<16xi32>
    %add3A_1670 = arith.addi %select_n3A_1657, %add3A_1669 : vector<16xi32>
    tpu.vector_store_idx %arg7[%select_n3A_1635, %broadcast_in_dim3A_1667, %add3A_1670], %gather3A_1665 : memref<32x1x12xf32, #tpu.memory_space<vmem>>[vector<16xi32>, vector<16xi32>, vector<16xi32>], vector<16xf32>,
    %iota3A_1671 = tpu.iota {dimensions = array<i32: 0>} : vector<16xi32>
    %add3A_1672 = arith.constant 32 : i32
    %add3A_1673 = vector.broadcast %add3A_1672 : i32 to vector<16xi32>
    %add3A_1674 = arith.addi %iota3A_1671, %add3A_1673 : vector<16xi32>
    %jit3A_1675 = arith.constant 3 : i32
    %div3A_1676 = vector.broadcast %jit3A_1675 : i32 to vector<16xi32>
    %div3A_1677 = arith.divsi %add3A_1674, %div3A_1676 : vector<16xi32>
    %sign3A_1678 = arith.constant 0 : i32
    %sign3A_1679 = vector.broadcast %sign3A_1678 : i32 to vector<16xi32>
    %sign3A_1680 = arith.cmpi sgt, %add3A_1674, %sign3A_1679 : vector<16xi32>
    %sign3A_1681 = arith.extui %sign3A_1680 : vector<16xi1> to vector<16xi32>
    %sign3A_1682 = arith.constant 0 : i32
    %sign3A_1683 = vector.broadcast %sign3A_1682 : i32 to vector<16xi32>
    %sign3A_1684 = arith.cmpi slt, %add3A_1674, %sign3A_1683 : vector<16xi32>
    %sign3A_1685 = arith.extui %sign3A_1684 : vector<16xi1> to vector<16xi32>
    %sign3A_1686 = arith.subi %sign3A_1681, %sign3A_1685 : vector<16xi32>
    %sign3A_1687 = arith.constant 0 : i32
    %sign3A_1688 = arith.cmpi sgt, %jit3A_1675, %sign3A_1687 : i32
    %sign3A_1689 = arith.extui %sign3A_1688 : i1 to i32
    %sign3A_1690 = arith.constant 0 : i32
    %sign3A_1691 = arith.cmpi slt, %jit3A_1675, %sign3A_1690 : i32
    %sign3A_1692 = arith.extui %sign3A_1691 : i1 to i32
    %sign3A_1693 = arith.subi %sign3A_1689, %sign3A_1692 : i32
    %ne3A_1694 = vector.broadcast %sign3A_1693 : i32 to vector<16xi32>
    %ne3A_1695 = arith.cmpi ne, %sign3A_1686, %ne3A_1694 : vector<16xi32>
    %rem3A_1696 = vector.broadcast %jit3A_1675 : i32 to vector<16xi32>
    %rem3A_1697 = arith.remsi %add3A_1674, %rem3A_1696 : vector<16xi32>
    %ne3A_1698 = arith.constant 0 : i32
    %ne3A_1699 = vector.broadcast %ne3A_1698 : i32 to vector<16xi32>
    %ne3A_1700 = arith.cmpi ne, %rem3A_1697, %ne3A_1699 : vector<16xi32>
    %and3A_1701 = arith.andi %ne3A_1695, %ne3A_1700 : vector<16xi1>
    %sub3A_1702 = arith.constant 1 : i32
    %sub3A_1703 = vector.broadcast %sub3A_1702 : i32 to vector<16xi32>
    %sub3A_1704 = arith.subi %div3A_1677, %sub3A_1703 : vector<16xi32>
    %select_n3A_1705 = arith.select %and3A_1701, %sub3A_1704, %div3A_1677 : vector<16xi1>, vector<16xi32>
    %jit3A_1706 = arith.constant 3 : i32
    %eq3A_1707 = arith.constant 0 : i32
    %eq3A_1708 = arith.cmpi eq, %jit3A_1706, %eq3A_1707 : i32
    %jit3A_1709 = arith.constant 1 : i32
    %select_n3A_1710 = arith.select %eq3A_1708, %jit3A_1709, %jit3A_1706 : i32
    %rem3A_1711 = vector.broadcast %select_n3A_1710 : i32 to vector<16xi32>
    %rem3A_1712 = arith.remsi %add3A_1674, %rem3A_1711 : vector<16xi32>
    %ne3A_1713 = arith.constant 0 : i32
    %ne3A_1714 = vector.broadcast %ne3A_1713 : i32 to vector<16xi32>
    %ne3A_1715 = arith.cmpi ne, %rem3A_1712, %ne3A_1714 : vector<16xi32>
    %lt3A_1716 = arith.constant 0 : i32
    %lt3A_1717 = vector.broadcast %lt3A_1716 : i32 to vector<16xi32>
    %lt3A_1718 = arith.cmpi slt, %rem3A_1712, %lt3A_1717 : vector<16xi32>
    %lt3A_1719 = arith.constant 0 : i32
    %lt3A_1720 = arith.cmpi slt, %select_n3A_1710, %lt3A_1719 : i32
    %ne3A_1721 = vector.broadcast %lt3A_1720 : i1 to vector<16xi1>
    %ne3A_1722 = vector.broadcast %ne3A_1721 : vector<16xi1> to vector<16xi1>
    %ne3A_1723 = arith.xori %lt3A_1718, %ne3A_1722 : vector<16xi1>
    %and3A_1724 = arith.andi %ne3A_1723, %ne3A_1715 : vector<16xi1>
    %add3A_1725 = vector.broadcast %select_n3A_1710 : i32 to vector<16xi32>
    %add3A_1726 = arith.addi %rem3A_1712, %add3A_1725 : vector<16xi32>
    %select_n3A_1727 = arith.select %and3A_1724, %add3A_1726, %rem3A_1712 : vector<16xi1>, vector<16xi32>
    %broadcast_in_dim3A_1728 = vector.broadcast %sub3A_199 : i32 to vector<16xi32>
    %gather3A_1729 = arith.constant 3 : i32
    %gather3A_1730 = arith.constant 0 : i32
    %gather3A_1731 = arith.constant 0 : i32
    %gather3A_1732 = arith.constant 0 : i32
    %gather3A_1733 = tpu.memref_slice %arg6[%gather3A_1729, %gather3A_1730, %gather3A_1731, %gather3A_1732] : memref<4x3x32x128xf32, #tpu.memory_space<vmem>> -> memref<1x3x32x128xf32, #tpu.memory_space<vmem>>
    %gather3A_1734 = tpu.memref_squeeze %gather3A_1733 : memref<1x3x32x128xf32, #tpu.memory_space<vmem>> -> memref<3x32x128xf32, #tpu.memory_space<vmem>>
    %gather3A_1735 = tpu.vector_load_idx %gather3A_1734[%select_n3A_1727, %select_n3A_1705, %broadcast_in_dim3A_1728] : memref<3x32x128xf32, #tpu.memory_space<vmem>>[vector<16xi32>, vector<16xi32>, vector<16xi32>], vector<16xf32>,
    %broadcast_in_dim3A_1736 = arith.constant 0 : i32
    %broadcast_in_dim3A_1737 = vector.broadcast %broadcast_in_dim3A_1736 : i32 to vector<16xi32>
    %add3A_1738 = arith.constant 9 : i32
    %add3A_1739 = vector.broadcast %add3A_1738 : i32 to vector<16xi32>
    %add3A_1740 = arith.addi %select_n3A_1727, %add3A_1739 : vector<16xi32>
    tpu.vector_store_idx %arg7[%select_n3A_1705, %broadcast_in_dim3A_1737, %add3A_1740], %gather3A_1735 : memref<32x1x12xf32, #tpu.memory_space<vmem>>[vector<16xi32>, vector<16xi32>, vector<16xi32>], vector<16xf32>,
    %iota3A_1741 = tpu.iota {dimensions = array<i32: 0>} : vector<16xi32>
    %add3A_1742 = arith.constant 48 : i32
    %add3A_1743 = vector.broadcast %add3A_1742 : i32 to vector<16xi32>
    %add3A_1744 = arith.addi %iota3A_1741, %add3A_1743 : vector<16xi32>
    %jit3A_1745 = arith.constant 3 : i32
    %div3A_1746 = vector.broadcast %jit3A_1745 : i32 to vector<16xi32>
    %div3A_1747 = arith.divsi %add3A_1744, %div3A_1746 : vector<16xi32>
    %sign3A_1748 = arith.constant 0 : i32
    %sign3A_1749 = vector.broadcast %sign3A_1748 : i32 to vector<16xi32>
    %sign3A_1750 = arith.cmpi sgt, %add3A_1744, %sign3A_1749 : vector<16xi32>
    %sign3A_1751 = arith.extui %sign3A_1750 : vector<16xi1> to vector<16xi32>
    %sign3A_1752 = arith.constant 0 : i32
    %sign3A_1753 = vector.broadcast %sign3A_1752 : i32 to vector<16xi32>
    %sign3A_1754 = arith.cmpi slt, %add3A_1744, %sign3A_1753 : vector<16xi32>
    %sign3A_1755 = arith.extui %sign3A_1754 : vector<16xi1> to vector<16xi32>
    %sign3A_1756 = arith.subi %sign3A_1751, %sign3A_1755 : vector<16xi32>
    %sign3A_1757 = arith.constant 0 : i32
    %sign3A_1758 = arith.cmpi sgt, %jit3A_1745, %sign3A_1757 : i32
    %sign3A_1759 = arith.extui %sign3A_1758 : i1 to i32
    %sign3A_1760 = arith.constant 0 : i32
    %sign3A_1761 = arith.cmpi slt, %jit3A_1745, %sign3A_1760 : i32
    %sign3A_1762 = arith.extui %sign3A_1761 : i1 to i32
    %sign3A_1763 = arith.subi %sign3A_1759, %sign3A_1762 : i32
    %ne3A_1764 = vector.broadcast %sign3A_1763 : i32 to vector<16xi32>
    %ne3A_1765 = arith.cmpi ne, %sign3A_1756, %ne3A_1764 : vector<16xi32>
    %rem3A_1766 = vector.broadcast %jit3A_1745 : i32 to vector<16xi32>
    %rem3A_1767 = arith.remsi %add3A_1744, %rem3A_1766 : vector<16xi32>
    %ne3A_1768 = arith.constant 0 : i32
    %ne3A_1769 = vector.broadcast %ne3A_1768 : i32 to vector<16xi32>
    %ne3A_1770 = arith.cmpi ne, %rem3A_1767, %ne3A_1769 : vector<16xi32>
    %and3A_1771 = arith.andi %ne3A_1765, %ne3A_1770 : vector<16xi1>
    %sub3A_1772 = arith.constant 1 : i32
    %sub3A_1773 = vector.broadcast %sub3A_1772 : i32 to vector<16xi32>
    %sub3A_1774 = arith.subi %div3A_1747, %sub3A_1773 : vector<16xi32>
    %select_n3A_1775 = arith.select %and3A_1771, %sub3A_1774, %div3A_1747 : vector<16xi1>, vector<16xi32>
    %jit3A_1776 = arith.constant 3 : i32
    %eq3A_1777 = arith.constant 0 : i32
    %eq3A_1778 = arith.cmpi eq, %jit3A_1776, %eq3A_1777 : i32
    %jit3A_1779 = arith.constant 1 : i32
    %select_n3A_1780 = arith.select %eq3A_1778, %jit3A_1779, %jit3A_1776 : i32
    %rem3A_1781 = vector.broadcast %select_n3A_1780 : i32 to vector<16xi32>
    %rem3A_1782 = arith.remsi %add3A_1744, %rem3A_1781 : vector<16xi32>
    %ne3A_1783 = arith.constant 0 : i32
    %ne3A_1784 = vector.broadcast %ne3A_1783 : i32 to vector<16xi32>
    %ne3A_1785 = arith.cmpi ne, %rem3A_1782, %ne3A_1784 : vector<16xi32>
    %lt3A_1786 = arith.constant 0 : i32
    %lt3A_1787 = vector.broadcast %lt3A_1786 : i32 to vector<16xi32>
    %lt3A_1788 = arith.cmpi slt, %rem3A_1782, %lt3A_1787 : vector<16xi32>
    %lt3A_1789 = arith.constant 0 : i32
    %lt3A_1790 = arith.cmpi slt, %select_n3A_1780, %lt3A_1789 : i32
    %ne3A_1791 = vector.broadcast %lt3A_1790 : i1 to vector<16xi1>
    %ne3A_1792 = vector.broadcast %ne3A_1791 : vector<16xi1> to vector<16xi1>
    %ne3A_1793 = arith.xori %lt3A_1788, %ne3A_1792 : vector<16xi1>
    %and3A_1794 = arith.andi %ne3A_1793, %ne3A_1785 : vector<16xi1>
    %add3A_1795 = vector.broadcast %select_n3A_1780 : i32 to vector<16xi32>
    %add3A_1796 = arith.addi %rem3A_1782, %add3A_1795 : vector<16xi32>
    %select_n3A_1797 = arith.select %and3A_1794, %add3A_1796, %rem3A_1782 : vector<16xi1>, vector<16xi32>
    %broadcast_in_dim3A_1798 = vector.broadcast %sub3A_199 : i32 to vector<16xi32>
    %gather3A_1799 = arith.constant 3 : i32
    %gather3A_1800 = arith.constant 0 : i32
    %gather3A_1801 = arith.constant 0 : i32
    %gather3A_1802 = arith.constant 0 : i32
    %gather3A_1803 = tpu.memref_slice %arg6[%gather3A_1799, %gather3A_1800, %gather3A_1801, %gather3A_1802] : memref<4x3x32x128xf32, #tpu.memory_space<vmem>> -> memref<1x3x32x128xf32, #tpu.memory_space<vmem>>
    %gather3A_1804 = tpu.memref_squeeze %gather3A_1803 : memref<1x3x32x128xf32, #tpu.memory_space<vmem>> -> memref<3x32x128xf32, #tpu.memory_space<vmem>>
    %gather3A_1805 = tpu.vector_load_idx %gather3A_1804[%select_n3A_1797, %select_n3A_1775, %broadcast_in_dim3A_1798] : memref<3x32x128xf32, #tpu.memory_space<vmem>>[vector<16xi32>, vector<16xi32>, vector<16xi32>], vector<16xf32>,
    %broadcast_in_dim3A_1806 = arith.constant 0 : i32
    %broadcast_in_dim3A_1807 = vector.broadcast %broadcast_in_dim3A_1806 : i32 to vector<16xi32>
    %add3A_1808 = arith.constant 9 : i32
    %add3A_1809 = vector.broadcast %add3A_1808 : i32 to vector<16xi32>
    %add3A_1810 = arith.addi %select_n3A_1797, %add3A_1809 : vector<16xi32>
    tpu.vector_store_idx %arg7[%select_n3A_1775, %broadcast_in_dim3A_1807, %add3A_1810], %gather3A_1805 : memref<32x1x12xf32, #tpu.memory_space<vmem>>[vector<16xi32>, vector<16xi32>, vector<16xi32>], vector<16xf32>,
    %iota3A_1811 = tpu.iota {dimensions = array<i32: 0>} : vector<16xi32>
    %add3A_1812 = arith.constant 64 : i32
    %add3A_1813 = vector.broadcast %add3A_1812 : i32 to vector<16xi32>
    %add3A_1814 = arith.addi %iota3A_1811, %add3A_1813 : vector<16xi32>
    %jit3A_1815 = arith.constant 3 : i32
    %div3A_1816 = vector.broadcast %jit3A_1815 : i32 to vector<16xi32>
    %div3A_1817 = arith.divsi %add3A_1814, %div3A_1816 : vector<16xi32>
    %sign3A_1818 = arith.constant 0 : i32
    %sign3A_1819 = vector.broadcast %sign3A_1818 : i32 to vector<16xi32>
    %sign3A_1820 = arith.cmpi sgt, %add3A_1814, %sign3A_1819 : vector<16xi32>
    %sign3A_1821 = arith.extui %sign3A_1820 : vector<16xi1> to vector<16xi32>
    %sign3A_1822 = arith.constant 0 : i32
    %sign3A_1823 = vector.broadcast %sign3A_1822 : i32 to vector<16xi32>
    %sign3A_1824 = arith.cmpi slt, %add3A_1814, %sign3A_1823 : vector<16xi32>
    %sign3A_1825 = arith.extui %sign3A_1824 : vector<16xi1> to vector<16xi32>
    %sign3A_1826 = arith.subi %sign3A_1821, %sign3A_1825 : vector<16xi32>
    %sign3A_1827 = arith.constant 0 : i32
    %sign3A_1828 = arith.cmpi sgt, %jit3A_1815, %sign3A_1827 : i32
    %sign3A_1829 = arith.extui %sign3A_1828 : i1 to i32
    %sign3A_1830 = arith.constant 0 : i32
    %sign3A_1831 = arith.cmpi slt, %jit3A_1815, %sign3A_1830 : i32
    %sign3A_1832 = arith.extui %sign3A_1831 : i1 to i32
    %sign3A_1833 = arith.subi %sign3A_1829, %sign3A_1832 : i32
    %ne3A_1834 = vector.broadcast %sign3A_1833 : i32 to vector<16xi32>
    %ne3A_1835 = arith.cmpi ne, %sign3A_1826, %ne3A_1834 : vector<16xi32>
    %rem3A_1836 = vector.broadcast %jit3A_1815 : i32 to vector<16xi32>
    %rem3A_1837 = arith.remsi %add3A_1814, %rem3A_1836 : vector<16xi32>
    %ne3A_1838 = arith.constant 0 : i32
    %ne3A_1839 = vector.broadcast %ne3A_1838 : i32 to vector<16xi32>
    %ne3A_1840 = arith.cmpi ne, %rem3A_1837, %ne3A_1839 : vector<16xi32>
    %and3A_1841 = arith.andi %ne3A_1835, %ne3A_1840 : vector<16xi1>
    %sub3A_1842 = arith.constant 1 : i32
    %sub3A_1843 = vector.broadcast %sub3A_1842 : i32 to vector<16xi32>
    %sub3A_1844 = arith.subi %div3A_1817, %sub3A_1843 : vector<16xi32>
    %select_n3A_1845 = arith.select %and3A_1841, %sub3A_1844, %div3A_1817 : vector<16xi1>, vector<16xi32>
    %jit3A_1846 = arith.constant 3 : i32
    %eq3A_1847 = arith.constant 0 : i32
    %eq3A_1848 = arith.cmpi eq, %jit3A_1846, %eq3A_1847 : i32
    %jit3A_1849 = arith.constant 1 : i32
    %select_n3A_1850 = arith.select %eq3A_1848, %jit3A_1849, %jit3A_1846 : i32
    %rem3A_1851 = vector.broadcast %select_n3A_1850 : i32 to vector<16xi32>
    %rem3A_1852 = arith.remsi %add3A_1814, %rem3A_1851 : vector<16xi32>
    %ne3A_1853 = arith.constant 0 : i32
    %ne3A_1854 = vector.broadcast %ne3A_1853 : i32 to vector<16xi32>
    %ne3A_1855 = arith.cmpi ne, %rem3A_1852, %ne3A_1854 : vector<16xi32>
    %lt3A_1856 = arith.constant 0 : i32
    %lt3A_1857 = vector.broadcast %lt3A_1856 : i32 to vector<16xi32>
    %lt3A_1858 = arith.cmpi slt, %rem3A_1852, %lt3A_1857 : vector<16xi32>
    %lt3A_1859 = arith.constant 0 : i32
    %lt3A_1860 = arith.cmpi slt, %select_n3A_1850, %lt3A_1859 : i32
    %ne3A_1861 = vector.broadcast %lt3A_1860 : i1 to vector<16xi1>
    %ne3A_1862 = vector.broadcast %ne3A_1861 : vector<16xi1> to vector<16xi1>
    %ne3A_1863 = arith.xori %lt3A_1858, %ne3A_1862 : vector<16xi1>
    %and3A_1864 = arith.andi %ne3A_1863, %ne3A_1855 : vector<16xi1>
    %add3A_1865 = vector.broadcast %select_n3A_1850 : i32 to vector<16xi32>
    %add3A_1866 = arith.addi %rem3A_1852, %add3A_1865 : vector<16xi32>
    %select_n3A_1867 = arith.select %and3A_1864, %add3A_1866, %rem3A_1852 : vector<16xi1>, vector<16xi32>
    %broadcast_in_dim3A_1868 = vector.broadcast %sub3A_199 : i32 to vector<16xi32>
    %gather3A_1869 = arith.constant 3 : i32
    %gather3A_1870 = arith.constant 0 : i32
    %gather3A_1871 = arith.constant 0 : i32
    %gather3A_1872 = arith.constant 0 : i32
    %gather3A_1873 = tpu.memref_slice %arg6[%gather3A_1869, %gather3A_1870, %gather3A_1871, %gather3A_1872] : memref<4x3x32x128xf32, #tpu.memory_space<vmem>> -> memref<1x3x32x128xf32, #tpu.memory_space<vmem>>
    %gather3A_1874 = tpu.memref_squeeze %gather3A_1873 : memref<1x3x32x128xf32, #tpu.memory_space<vmem>> -> memref<3x32x128xf32, #tpu.memory_space<vmem>>
    %gather3A_1875 = tpu.vector_load_idx %gather3A_1874[%select_n3A_1867, %select_n3A_1845, %broadcast_in_dim3A_1868] : memref<3x32x128xf32, #tpu.memory_space<vmem>>[vector<16xi32>, vector<16xi32>, vector<16xi32>], vector<16xf32>,
    %broadcast_in_dim3A_1876 = arith.constant 0 : i32
    %broadcast_in_dim3A_1877 = vector.broadcast %broadcast_in_dim3A_1876 : i32 to vector<16xi32>
    %add3A_1878 = arith.constant 9 : i32
    %add3A_1879 = vector.broadcast %add3A_1878 : i32 to vector<16xi32>
    %add3A_1880 = arith.addi %select_n3A_1867, %add3A_1879 : vector<16xi32>
    tpu.vector_store_idx %arg7[%select_n3A_1845, %broadcast_in_dim3A_1877, %add3A_1880], %gather3A_1875 : memref<32x1x12xf32, #tpu.memory_space<vmem>>[vector<16xi32>, vector<16xi32>, vector<16xi32>], vector<16xf32>,
    %iota3A_1881 = tpu.iota {dimensions = array<i32: 0>} : vector<16xi32>
    %add3A_1882 = arith.constant 80 : i32
    %add3A_1883 = vector.broadcast %add3A_1882 : i32 to vector<16xi32>
    %add3A_1884 = arith.addi %iota3A_1881, %add3A_1883 : vector<16xi32>
    %jit3A_1885 = arith.constant 3 : i32
    %div3A_1886 = vector.broadcast %jit3A_1885 : i32 to vector<16xi32>
    %div3A_1887 = arith.divsi %add3A_1884, %div3A_1886 : vector<16xi32>
    %sign3A_1888 = arith.constant 0 : i32
    %sign3A_1889 = vector.broadcast %sign3A_1888 : i32 to vector<16xi32>
    %sign3A_1890 = arith.cmpi sgt, %add3A_1884, %sign3A_1889 : vector<16xi32>
    %sign3A_1891 = arith.extui %sign3A_1890 : vector<16xi1> to vector<16xi32>
    %sign3A_1892 = arith.constant 0 : i32
    %sign3A_1893 = vector.broadcast %sign3A_1892 : i32 to vector<16xi32>
    %sign3A_1894 = arith.cmpi slt, %add3A_1884, %sign3A_1893 : vector<16xi32>
    %sign3A_1895 = arith.extui %sign3A_1894 : vector<16xi1> to vector<16xi32>
    %sign3A_1896 = arith.subi %sign3A_1891, %sign3A_1895 : vector<16xi32>
    %sign3A_1897 = arith.constant 0 : i32
    %sign3A_1898 = arith.cmpi sgt, %jit3A_1885, %sign3A_1897 : i32
    %sign3A_1899 = arith.extui %sign3A_1898 : i1 to i32
    %sign3A_1900 = arith.constant 0 : i32
    %sign3A_1901 = arith.cmpi slt, %jit3A_1885, %sign3A_1900 : i32
    %sign3A_1902 = arith.extui %sign3A_1901 : i1 to i32
    %sign3A_1903 = arith.subi %sign3A_1899, %sign3A_1902 : i32
    %ne3A_1904 = vector.broadcast %sign3A_1903 : i32 to vector<16xi32>
    %ne3A_1905 = arith.cmpi ne, %sign3A_1896, %ne3A_1904 : vector<16xi32>
    %rem3A_1906 = vector.broadcast %jit3A_1885 : i32 to vector<16xi32>
    %rem3A_1907 = arith.remsi %add3A_1884, %rem3A_1906 : vector<16xi32>
    %ne3A_1908 = arith.constant 0 : i32
    %ne3A_1909 = vector.broadcast %ne3A_1908 : i32 to vector<16xi32>
    %ne3A_1910 = arith.cmpi ne, %rem3A_1907, %ne3A_1909 : vector<16xi32>
    %and3A_1911 = arith.andi %ne3A_1905, %ne3A_1910 : vector<16xi1>
    %sub3A_1912 = arith.constant 1 : i32
    %sub3A_1913 = vector.broadcast %sub3A_1912 : i32 to vector<16xi32>
    %sub3A_1914 = arith.subi %div3A_1887, %sub3A_1913 : vector<16xi32>
    %select_n3A_1915 = arith.select %and3A_1911, %sub3A_1914, %div3A_1887 : vector<16xi1>, vector<16xi32>
    %jit3A_1916 = arith.constant 3 : i32
    %eq3A_1917 = arith.constant 0 : i32
    %eq3A_1918 = arith.cmpi eq, %jit3A_1916, %eq3A_1917 : i32
    %jit3A_1919 = arith.constant 1 : i32
    %select_n3A_1920 = arith.select %eq3A_1918, %jit3A_1919, %jit3A_1916 : i32
    %rem3A_1921 = vector.broadcast %select_n3A_1920 : i32 to vector<16xi32>
    %rem3A_1922 = arith.remsi %add3A_1884, %rem3A_1921 : vector<16xi32>
    %ne3A_1923 = arith.constant 0 : i32
    %ne3A_1924 = vector.broadcast %ne3A_1923 : i32 to vector<16xi32>
    %ne3A_1925 = arith.cmpi ne, %rem3A_1922, %ne3A_1924 : vector<16xi32>
    %lt3A_1926 = arith.constant 0 : i32
    %lt3A_1927 = vector.broadcast %lt3A_1926 : i32 to vector<16xi32>
    %lt3A_1928 = arith.cmpi slt, %rem3A_1922, %lt3A_1927 : vector<16xi32>
    %lt3A_1929 = arith.constant 0 : i32
    %lt3A_1930 = arith.cmpi slt, %select_n3A_1920, %lt3A_1929 : i32
    %ne3A_1931 = vector.broadcast %lt3A_1930 : i1 to vector<16xi1>
    %ne3A_1932 = vector.broadcast %ne3A_1931 : vector<16xi1> to vector<16xi1>
    %ne3A_1933 = arith.xori %lt3A_1928, %ne3A_1932 : vector<16xi1>
    %and3A_1934 = arith.andi %ne3A_1933, %ne3A_1925 : vector<16xi1>
    %add3A_1935 = vector.broadcast %select_n3A_1920 : i32 to vector<16xi32>
    %add3A_1936 = arith.addi %rem3A_1922, %add3A_1935 : vector<16xi32>
    %select_n3A_1937 = arith.select %and3A_1934, %add3A_1936, %rem3A_1922 : vector<16xi1>, vector<16xi32>
    %broadcast_in_dim3A_1938 = vector.broadcast %sub3A_199 : i32 to vector<16xi32>
    %gather3A_1939 = arith.constant 3 : i32
    %gather3A_1940 = arith.constant 0 : i32
    %gather3A_1941 = arith.constant 0 : i32
    %gather3A_1942 = arith.constant 0 : i32
    %gather3A_1943 = tpu.memref_slice %arg6[%gather3A_1939, %gather3A_1940, %gather3A_1941, %gather3A_1942] : memref<4x3x32x128xf32, #tpu.memory_space<vmem>> -> memref<1x3x32x128xf32, #tpu.memory_space<vmem>>
    %gather3A_1944 = tpu.memref_squeeze %gather3A_1943 : memref<1x3x32x128xf32, #tpu.memory_space<vmem>> -> memref<3x32x128xf32, #tpu.memory_space<vmem>>
    %gather3A_1945 = tpu.vector_load_idx %gather3A_1944[%select_n3A_1937, %select_n3A_1915, %broadcast_in_dim3A_1938] : memref<3x32x128xf32, #tpu.memory_space<vmem>>[vector<16xi32>, vector<16xi32>, vector<16xi32>], vector<16xf32>,
    %broadcast_in_dim3A_1946 = arith.constant 0 : i32
    %broadcast_in_dim3A_1947 = vector.broadcast %broadcast_in_dim3A_1946 : i32 to vector<16xi32>
    %add3A_1948 = arith.constant 9 : i32
    %add3A_1949 = vector.broadcast %add3A_1948 : i32 to vector<16xi32>
    %add3A_1950 = arith.addi %select_n3A_1937, %add3A_1949 : vector<16xi32>
    tpu.vector_store_idx %arg7[%select_n3A_1915, %broadcast_in_dim3A_1947, %add3A_1950], %gather3A_1945 : memref<32x1x12xf32, #tpu.memory_space<vmem>>[vector<16xi32>, vector<16xi32>, vector<16xi32>], vector<16xf32>,
    "tpu.region"() ({
      %run_scoped3A = tpu.sem_alloc : memref<!tpu.dma_semaphore, #tpu.memory_space<semaphore_mem>>
      %dma_start3A_1951 = arith.constant 0 : i32
      %dma_start3A_1952 = tpu.memref_slice %arg4[%mul3A_0, %arg1, %dma_start3A_1951] : memref<64x16x12xf32, #tpu.memory_space<hbm>> -> memref<32x1x12xf32, #tpu.memory_space<hbm>>
      %dma_start3A_1953 = arith.constant 0 : i32
      %dma_start3A_1954 = tpu.memref_slice %arg4[%mul3A_0, %arg1, %dma_start3A_1953] : memref<64x16x12xf32, #tpu.memory_space<hbm>> -> memref<32x1x12xf32, #tpu.memory_space<hbm>>
      tpu.enqueue_dma source(%arg7 : memref<32x1x12xf32, #tpu.memory_space<vmem>>) target(%dma_start3A_1954 : memref<32x1x12xf32, #tpu.memory_space<hbm>>) target_semaphore(%run_scoped3A : memref<!tpu.dma_semaphore, #tpu.memory_space<semaphore_mem>>)
      %dma_wait3A_1955 = arith.constant 0 : i32
      %dma_wait3A_1956 = tpu.memref_slice %arg4[%mul3A_0, %arg1, %dma_wait3A_1955] : memref<64x16x12xf32, #tpu.memory_space<hbm>> -> memref<32x1x12xf32, #tpu.memory_space<hbm>>
      %dma_wait3A_1957 = arith.constant 0 : i32
      %dma_wait3A_1958 = tpu.memref_slice %arg4[%mul3A_0, %arg1, %dma_wait3A_1957] : memref<64x16x12xf32, #tpu.memory_space<hbm>> -> memref<32x1x12xf32, #tpu.memory_space<hbm>>
      tpu.wait_dma2 semaphore(%run_scoped3A : memref<!tpu.dma_semaphore, #tpu.memory_space<semaphore_mem>>) src(%arg7 : memref<32x1x12xf32, #tpu.memory_space<vmem>>) dst(%dma_wait3A_1958 : memref<32x1x12xf32, #tpu.memory_space<hbm>>)
      tpu.yield
    }) : () -> ()
    return
  }
}

</mosaic_0001>

<sc_bundles>
// kernel: kernel.3.cloned.1.call-start
scs
__scs_entry_jumppad:
0x0: {  	(pc) =	sbr.rel $0x88, $3  }
0x1: {  	(tag) =	ssettag $0x0;
	lr =	simm.s32 $0x1  }
0x2: {  	[smem:$0x3F9F] =	sst lr;
	_ =	strace $0xD0000000  }
0x3: {  	_ = 	snop  }
0x4: {  	_ = 	snop  }
0x5: {  	_ = 	snop  }
0x6: {  	_ = 	snop  }
0x7: {  	_ = 	snop  }
__scs_overlays_trampoline_lowered:
0x8: {  	[smem:$0x3FAE] =	sst s0  }
0x9: {  	[smem:$0x3FAF] =	sst s1  }
0xa: {  	[smem:$0x3FB0] =	sst s2  }
0xb: {  	[smem:$0x3FB1] =	sst s3  }
0xc: {  	[smem:$0x3FB2] =	sst s4  }
0xd: {  	[smem:$0x3FB3] =	sst s5  }
0xe: {  	[smem:$0x3FB4] =	sst s6  }
0xf: {  	[smem:$0x3FB5] =	sst s7  }
0x10: {  	[smem:$0x3FB6] =	sst s8  }
0x11: {  	[smem:$0x3FB7] =	sst s9;
	s0 =	simm.s32 @!p0 $0x0  }
0x12: {  	s1 =	sld [smem:$0x3F9D];
	s0 =	simm.s32 @p0 $0x1  }
0x13: {  	[smem:$0x3FB8] =	sst s0;
	s0 =	simm.s32 @!p1 $0x0  }
0x14: {  	s2 =	sld [smem:$0x3F9C];
	s0 =	simm.s32 @p1 $0x1  }
0x15: {  	[smem:$0x3FB9] =	sst s0;
	s0 =	simm.s32 @!p2 $0x0  }
0x16: {  	s3 =	sld [smem:$0x3FDB];
	s0 =	simm.s32 @p2 $0x1  }
0x17: {  	s4 =	simm.s32 $0x1BF5;
	[smem:$0x3FBB] =	sst s0  }
0x18: {  	s0 =	sld [smem:$0x3F9E];
	_ =	swait.ge [sflag:s4], $0x0  }
0x19: {  	s7 =	sld [smem:$0x3F9F]  }
0x1a: {  	s8 =	sadd.s32 $0xFFFFE003, lr  }
0x1b: {  	s9 =	sadd.s32 $0xFFFFFEF7, lr;
	s5 =	simm.s32 $0xFFFFFFFF;
	p2 =	slt.u32 s8, $0xFFFFF086  }
0x1c: {  	p1 =	slt.u32 s9, $0xF7A;
	s5 =	simm.s32 @!p2 $0x0  }
0x1d: {  	s5 =	simm.s32 @p1 $0x1;
	p0 =	seq.s32 s7, s2  }
0x1e: {  	s7 =	smul.u32 @!p0 $0xF7A, s2;
	p2 =	seq.s32 @!p0 s5, $0x0  }
0x1f: {  	s9 =	smul.u32 $0xF7A, s1;
	s8 =	simm.s32 @!p0 $0x1BF5;
	p2 =	por !p2, p0  }
0x20: {  	[sflag:s8] =	ssyncset.s32 @!p0 $0xFFFFF086;
	s6 =	sadd.s32 @!p0 s3, s7;
	s7 =	simm.s32 @!p0 $0x108  }
0x21: {  	s3 =	sadd.s32 s3, s9;
	s6 =	sadd.s32 @!p0 $0x88, s6;
	s7 =	simm.s32 @p2 $0x1082  }
0x22: {  	[simem:s7], [sflag:s8] =	dma.local @!p0 [hbm:s6], $0xF7A  }
0x23: {  	s9 =	sor.u32 $0xD0000000, s2;
	s6 =	simm.s32 $0x108;
	_ =	swait.ge @!p0 [sflag:s8], $0x0  }
0x24: {  	s3 =	sadd.s32 $0x88, s3;
	s6 =	simm.s32 @!p1 $0x1082;
	[sflag:s4] =	ssyncset.s32 $0xFFFFF086  }
0x25: {  	[simem:s6], [sflag:s4] =	dma.local [hbm:s3], $0xF7A  }
0x26: {  	[smem:$0x3F9F] =	sst s1;
	(tag) =	ssettag s2;
	_ =	strace s9  }
0x27: {  	s1 =	sld [smem:$0x3FAF]  }
0x28: {  	s2 =	sld [smem:$0x3FB0]  }
0x29: {  	s4 =	sld [smem:$0x3FB2]  }
0x2a: {  	p0 =	seq.s32 s5, $0x0;
	s5 =	sld [smem:$0x3FB3]  }
0x2b: {  	s6 =	sld [smem:$0x3FB4]  }
0x2c: {  	s7 =	sld [smem:$0x3FB5]  }
0x2d: {  	s3 =	simm.s32 $0x108;
	s8 =	sld [smem:$0x3FB6]  }
0x2e: {  	s3 =	simm.s32 @!p0 $0x1082;
	s9 =	sld [smem:$0x3FB7]  }
0x2f: {  	lr =	sadd.s32 s0, s3;
	s0 =	sld [smem:$0x3FAE]  }
0x30: {  	s3 =	sld [smem:$0x3FB1]  }
0x31: {  	[smem:$0x3FBA] =	sst s10  }
0x32: {  	s10 =	sld [smem:$0x3FB8];
	_ =	sdelay $0x3  }
0x33: {  	p0 =	seq.s32 s10, $0x1;
	s10 =	sld [smem:$0x3FBA];
	_ =	sdelay $0x3  }
0x34: {  	[smem:$0x3FBA] =	sst s10  }
0x35: {  	s10 =	sld [smem:$0x3FB9];
	_ =	sdelay $0x3  }
0x36: {  	p1 =	seq.s32 s10, $0x1;
	s10 =	sld [smem:$0x3FBA];
	_ =	sdelay $0x3  }
0x37: {  	[smem:$0x3FBA] =	sst s10  }
0x38: {  	s10 =	sld [smem:$0x3FBB]  }
0x39: {  	_ = 	snop;
	(pc) =	sbr.ind lr, $3  }
0x3a: {  	_ = 	snop  }
0x3b: {  	_ = 	snop  }
0x3c: {  	p2 =	seq.s32 s10, $0x1;
	s10 =	sld [smem:$0x3FBA]  }
0x3d: {  	_ =	shalt  }
0x3e: {  	_ =	shalt  }
0x3f: {  	_ =	shalt  }
0x40: {  	_ =	shalt  }
0x41: {  	_ =	shalt  }
0x42: {  	_ =	shalt  }
0x43: {  	_ =	shalt  }
0x44: {  	_ =	shalt  }
0x45: {  	_ =	shalt  }
0x46: {  	_ =	shalt  }
0x47: {  	_ =	shalt  }
0x48: {  	_ =	shalt  }
0x49: {  	_ =	shalt  }
0x4a: {  	_ =	shalt  }
0x4b: {  	_ =	shalt  }
0x4c: {  	_ =	shalt  }
0x4d: {  	_ =	shalt  }
0x4e: {  	_ =	shalt  }
0x4f: {  	_ =	shalt  }
0x50: {  	_ =	shalt  }
0x51: {  	_ =	shalt  }
0x52: {  	_ =	shalt  }
0x53: {  	_ =	shalt  }
0x54: {  	_ =	shalt  }
0x55: {  	_ =	shalt  }
0x56: {  	_ =	shalt  }
0x57: {  	_ =	shalt  }
0x58: {  	_ =	shalt  }
0x59: {  	_ =	shalt  }
0x5a: {  	_ =	shalt  }
0x5b: {  	_ =	shalt  }
0x5c: {  	_ =	shalt  }
0x5d: {  	_ =	shalt  }
0x5e: {  	_ =	shalt  }
0x5f: {  	_ =	shalt  }
0x60: {  	_ =	shalt  }
0x61: {  	_ =	shalt  }
0x62: {  	_ =	shalt  }
0x63: {  	_ =	shalt  }
0x64: {  	_ =	shalt  }
0x65: {  	_ =	shalt  }
0x66: {  	_ =	shalt  }
0x67: {  	_ =	shalt  }
0x68: {  	_ =	shalt  }
0x69: {  	_ =	shalt  }
0x6a: {  	_ =	shalt  }
0x6b: {  	_ =	shalt  }
0x6c: {  	_ =	shalt  }
0x6d: {  	_ =	shalt  }
0x6e: {  	_ =	shalt  }
0x6f: {  	_ =	shalt  }
0x70: {  	_ =	shalt  }
0x71: {  	_ =	shalt  }
0x72: {  	_ =	shalt  }
0x73: {  	_ =	shalt  }
0x74: {  	_ =	shalt  }
0x75: {  	_ =	shalt  }
0x76: {  	_ =	shalt  }
0x77: {  	_ =	shalt  }
0x78: {  	_ =	shalt  }
0x79: {  	_ =	shalt  }
0x7a: {  	_ =	shalt  }
0x7b: {  	_ =	shalt  }
0x7c: {  	_ =	shalt  }
0x7d: {  	_ =	shalt  }
0x7e: {  	_ =	shalt  }
0x7f: {  	_ =	shalt  }
0x80: {  	_ =	shalt  }
0x81: {  	_ =	shalt  }
0x82: {  	_ =	shalt  }
0x83: {  	_ =	shalt  }
0x84: {  	_ =	shalt  }
0x85: {  	_ =	shalt  }
0x86: {  	_ =	shalt  }
0x87: {  	_ =	shalt  }
.Lfunc_end0:
.L_simem_size_0:
called_computation_lowered:
.L_overlay_start_0:
0x88: {  	s2 =	sld [smem:$0x3FD9]  }
0x89: {  	s3 =	sld [smem:$0x3FFE];
	_ =	sdelay $0x1  }
0x8a: {  	s1 =	srdreg.scid  }
0x8b: {  	s0 =	sand.u32 $0x1, s1  }
0x8c: {  	s17 =	sshll.u32 s0, $0xA;
	s2 =	sadd.s32 s3, s2  }
0x8d: {  	s2 =	sadd.s32 s2, s17  }
0x8e: {  	[smem:$0x3FC6] =	sst s2  }
0x8f: {  	_ = 	snop  }
0x90: {  	s2 =	sld [smem:$0x3FC9]  }
0x91: {  	s18 =	sld [smem:$0x3FC8];
	(tm) =	ssettm $0x1  }
0x92: {  	s4 =	sld [smem:$0x3FFB];
	_ =	sdelay $0x3  }
0x93: {  	_ =	strace s4  }
0x94: {  	s4 =	sld [smem:$0x3FFC];
	_ =	sdelay $0x3  }
0x95: {  	_ =	strace s4  }
0x96: {  	s4 =	sld [smem:$0x3FFD];
	_ =	sdelay $0x3  }
0x97: {  	_ =	strace s4  }
0x98: {  	_ =	strace $0x8FFFFFFF  }
0x99: {  	s19 =	sld [smem:$0x3FDB];
	_ =	sdelay $0x1  }
0x9a: {  	s5 =	simm.s32 $_scs_section_size  }
0x9b: {  	s6 =	simm.s32 $_size__tile_overlayer_lowered;
	s7 =	simm.s32 $_tile_overlayer_lowered  }
0x9c: {  	s22 =	simm.s32 $0x1BFF;
	s21 =	sshll.u32 s7, $0x1;
	s4 =	sadd.s32 s5, s19  }
0x9d: {  	s8 =	simm.s32 $0x0;
	s20 =	sshll.u32 s6, $0x1;
	s6 =	sadd.s32 s21, s4  }
0x9e: {  	[timem:s8], [sflag:s22] =	dma.local [hbm:s6], s20  }
0x9f: {  	_ =	swait.ge [sflag:s22], s20  }
0xa0: {  	s5 =	ssub.s32 $0x0, s20;
	[sflag:s22] =	ssyncset.done $0x0  }
0xa1: {  	[sflag:s22] =	ssyncadd.s32 s5;
	_ =	sdelay $0x1  }
0xa2: {  	s23 =	simm.s32 $0x1B8B  }
0xa3: {  	_ =	swait.ge [sflag:s23], $0x1  }
0xa4: {  	[sflag:s23] =	ssyncset.done $0x0  }
0xa5: {  	s25 =	simm.s32 $0x1B8E;
	s24 =	sld [smem:$0x3FFE];
	[sflag:s23] =	ssyncadd.s32 $0xFFFFFFFF  }
0xa6: {  	s26 =	simm.s32 $execute0_lowered;
	[smem:$0x3FD2] =	sst s25  }
0xa7: {  	s6 =	sshll.u32 s26, $0x1;
	_ =	strace $0x80000046;
	[dreg:$0x1] =	wrdreg $0xFFFFFFFF  }
0xa8: {  	s28 =	simm.s32 $_size_execute0_lowered;
	s4 =	sadd.s32 s4, s6;
	[dreg:$0x0] =	wrdreg $0x0  }
0xa9: {  	s6 =	sshll.u32 s28, $0x1;
	[dreg:$0x2] =	wrdreg s4  }
0xaa: {  	[dreg:$0x3] =	wrdreg s6  }
0xab: {  	[dreg:$0x4] =	wrdreg $0xC0  }
0xac: {  	_ =	task [dreg:s8], $0x5FFFF  }
0xad: {  	[dreg:$0x1] =	wrdreg $0xFFFFFFFF  }
0xae: {  	[dreg:$0x0] =	wrdreg $0x60  }
0xaf: {  	[dreg:$0x2] =	wrdreg s2  }
0xb0: {  	[dreg:$0x3] =	wrdreg s18  }
0xb1: {  	[dreg:$0x4] =	wrdreg s24  }
0xb2: {  	[dreg:$0x5] =	wrdreg $0x9  }
0xb3: {  	_ =	task.clear_ibuf [dreg:s8], $0x6FFFF;
	_ =	strace $0x90000046  }
0xb4: {  	s29 =	simm.s32 $0x9;
	_ =	strace $0x80000048  }
0xb5: {  	_ =	swait.ge [sflag:s29], $0x1  }
0xb6: {  	[sflag:s29] =	ssyncadd.s32 $0xFFFFFFFF  }
0xb7: {  	_ =	strace $0x90000048  }
0xb8: {  	_ =	sfence  }
0xb9: {  	s30 =	sld [smem:$0x0];
	_ =	sdelay $0x2  }
0xba: {  	s31 =	sshll.u32 s1, $0xD;
	s1 =	sshrl.u32 s1, $0x2  }
0xbb: {  	s3 =	sand.u32 $0x4000, s31;
	s1 =	sadd.s32 s1, s30  }
0xbc: {  	s0 =	sor.u32 s3, s0;
	s1 =	sshll.u32 s1, $0x11  }
0xbd: {  	s0 =	sor.u32 s1, s0  }
0xbe: {  	s0 =	sadd.s32 $0x8F2B, s0  }
0xbf: {  	[sflag:s0] =	ssyncadd.remote.s32 $0x1  }
0xc0: {  	_ =	sfence.sel $0xFFFF  }
0xc1: {  	[dreg:$0x0] =	wrdreg $0xFFFFFFFF;
	(pc) =	sbr.abs _section_cstart, $3  }
0xc2: {  	[dreg:$0x1] =	wrdreg $0xFFFFFFFF  }
0xc3: {  	_ =	task.clear_ibuf [dreg:s8], $0x2FFFF;
	_ =	strace $0x9FFFFFFF  }
0xc4: {  	(tm) =	ssettm $0x7FFFFFFF  }
0xc5: {  	_ =	shalt  }
tec
execute0_lowered:
.L_overlay_start_1:
0x0: {  	(tag) =	ssettag $0x1  }
0x1: {  	vm14 =	vcmask $0x300;
	v0 =	vimm.s32 $0x280  }
0x2: {  	vm13 =	vcmask $0x704;
	vm12 =	vcmask $0xB08;
	vm11 =	vcmask $0xF0C  }
0x3: {  	vm10 =	vcmask $0x1310;
	vm9 =	vcmask $0x1714;
	vm8 =	vcmask $0x1B18  }
0x4: {  	vm5 =	vcmask $0x1F1C;
	vm1 =	vcmask $0x2320;
	vm0 =	vcmask $0x2724  }
0x5: {  	v6 =	vimm.s32 $0x1500;
	vm15 =	vcmask $0xF00;
	vm2 =	vcmask $0x2B28  }
0x6: {  	vm3 =	vcmask $0x2F2C;
	vm4 =	vcmask $0x3330;
	vm6 =	vcmask $0x3734  }
0x7: {  	vm7 =	vcmask $0x3B38;
	v7 =	vimm.s32 $0x501;
	v8 =	vimm.s32 $0x2780  }
0x8: {  	v9 =	vimm.s32 $0x782;
	v10 =	vimm.s32 $0xA80;
	v12 =	vimm.s32 $0x1D00  }
0x9: {  	v14 =	vimm.s32 $0x2F80;
	v15 =	vimm.s32 $0xF82;
	v16 =	vimm.s32 $0x83050403  }
0xa: {  	v17 =	vimm.s32 $0x504;
	v18 =	vimm.s32 $0x785;
	v19 =	vimm.s32 $0xA83  }
0xb: {  	v20 =	vimm.s32 $0xD04;
	v21 =	vimm.s32 $0xF85;
	v22 =	vimm.s32 $0x86080706  }
0xc: {  	v23 =	vimm.s32 $0x507;
	v24 =	vimm.s32 $0x788;
	v25 =	vimm.s32 $0xA86  }
0xd: {  	v26 =	vimm.s32 $0xD07;
	v27 =	vimm.s32 $0xF88;
	v28 =	vimm.s32 $0x890B0A09  }
0xe: {  	v29 =	vimm.s32 $0x50A;
	v30 =	vimm.s32 $0x78B;
	v31 =	vimm.s32 $0xA89  }
0xf: {  	v32 =	vimm.s32 $0xD0A;
	v33 =	vimm.s32 $0xF8B;
	v0 =	vsel vm14, $0x0, v0  }
0x10: {  	v6 =	vsel vm14, $0x1280, v6;
	v7 =	vsel vm14, $0x281, v7;
	v8 =	vsel vm14, $0x2500, v8  }
0x11: {  	v9 =	vsel vm14, $0x502, v9;
	v10 =	vsel vm14, $0x800, v10;
	v12 =	vsel vm14, $0x1A80, v12  }
0x12: {  	v14 =	vsel vm14, $0x2D00, v14;
	v15 =	vsel vm14, $0xD02, v15;
	v16 =	vunpack.c.0.s8.s32 v16  }
0x13: {  	v17 =	vsel vm14, $0x284, v17;
	v18 =	vsel vm14, $0x505, v18;
	v19 =	vsel vm14, $0x803, v19  }
0x14: {  	v20 =	vsel vm14, $0xA84, v20;
	v21 =	vsel vm14, $0xD05, v21;
	v22 =	vunpack.c.0.s8.s32 v22  }
0x15: {  	v23 =	vsel vm14, $0x287, v23;
	v24 =	vsel vm14, $0x508, v24;
	v25 =	vsel vm14, $0x806, v25  }
0x16: {  	v26 =	vsel vm14, $0xA87, v26;
	v27 =	vsel vm14, $0xD08, v27;
	v28 =	vunpack.c.0.s8.s32 v28  }
0x17: {  	s0 =	stileid.u32;
	v29 =	vsel vm14, $0x28A, v29;
	v30 =	vsel vm14, $0x50B, v30;
	v31 =	vsel vm14, $0x809, v31  }
0x18: {  	s1 =	sshll.u32 s0, $0x2;
	v32 =	vsel vm14, $0xA8A, v32;
	v33 =	vsel vm14, $0xD0B, v33;
	v0 =	vsel vm13, $0x1000, v0  }
0x19: {  	v1 =	vmov s1;
	v6 =	vsel vm13, $0x2280, v6;
	v7 =	vsel vm13, $0x282, v7  }
0x1a: {  	v8 =	vsel vm13, $0x580, v8;
	v9 =	vsel vm13, $0x580, v9;
	v11 =	vsel vm13, $0x1800, v10  }
0x1b: {  	v10 =	vsel vm13, $0x801, v10;
	v12 =	vsel vm13, $0x2A80, v12;
	v14 =	vsel vm13, $0xD80, v14  }
0x1c: {  	v15 =	vsel vm13, $0xD80, v15;
	v17 =	vsel vm13, $0x285, v17;
	v18 =	vsel vm13, $0x583, v18  }
0x1d: {  	v19 =	vsel vm13, $0x804, v19;
	v20 =	vsel vm13, $0xA85, v20;
	v21 =	vsel vm13, $0xD83, v21  }
0x1e: {  	v23 =	vsel vm13, $0x288, v23;
	v24 =	vsel vm13, $0x586, v24;
	v25 =	vsel vm13, $0x807, v25  }
0x1f: {  	v26 =	vsel vm13, $0xA88, v26;
	v27 =	vsel vm13, $0xD86, v27;
	v29 =	vsel vm13, $0x28B, v29  }
0x20: {  	v30 =	vsel vm13, $0x589, v30;
	v31 =	vsel vm13, $0x80A, v31;
	v32 =	vsel vm13, $0xA8B, v32  }
0x21: {  	v33 =	vsel vm13, $0xD89, v33;
	v0 =	vsel vm12, $0x2000, v0;
	v6 =	vsel vm12, $0x300, v6  }
0x22: {  	v7 =	vsel vm12, $0x300, v7;
	v8 =	vsel vm12, $0x1580, v8;
	v9 =	vsel vm12, $0x581, v9  }
0x23: {  	v11 =	vsel vm12, $0x2800, v11;
	v10 =	vsel vm12, $0x802, v10;
	v12 =	vsel vm12, $0xB00, v12  }
0x24: {  	v14 =	vsel vm12, $0x1D80, v14;
	v15 =	vsel vm12, $0xD81, v15;
	v16 =	vand.u32 $0xFF, v16  }
0x25: {  	v17 =	vsel vm12, $0x303, v17;
	v18 =	vsel vm12, $0x584, v18;
	v19 =	vsel vm12, $0x805, v19  }
0x26: {  	v20 =	vsel vm12, $0xB03, v20;
	v21 =	vsel vm12, $0xD84, v21;
	v22 =	vand.u32 $0xFF, v22  }
0x27: {  	v23 =	vsel vm12, $0x306, v23;
	v24 =	vsel vm12, $0x587, v24;
	v25 =	vsel vm12, $0x808, v25  }
0x28: {  	v26 =	vsel vm12, $0xB06, v26;
	v27 =	vsel vm12, $0xD87, v27;
	v28 =	vand.u32 $0xFF, v28  }
0x29: {  	v29 =	vsel vm12, $0x309, v29;
	v30 =	vsel vm12, $0x58A, v30;
	v31 =	vsel vm12, $0x80B, v31  }
0x2a: {  	v32 =	vsel vm12, $0xB09, v32;
	v33 =	vsel vm12, $0xD8A, v33;
	v2 =	vsel vm11, $0x80, v0  }
0x2b: {  	v0 =	vbroadcast v1, $0x0;
	v6 =	vsel vm11, $0x1300, v6;
	v7 =	vsel vm11, $0x301, v7  }
0x2c: {  	v8 =	vsel vm11, $0x2580, v8;
	v9 =	vsel vm11, $0x582, v9;
	v11 =	vsel vm11, $0x880, v11  }
0x2d: {  	v10 =	vsel vm11, $0x880, v10;
	v12 =	vsel vm11, $0x1B00, v12;
	v14 =	vsel vm11, $0x2D80, v14  }
0x2e: {  	v15 =	vsel vm11, $0xD82, v15;
	v16 =	vnsel vm15, $0x283, v16;
	v17 =	vsel vm11, $0x304, v17  }
0x2f: {  	v18 =	vsel vm11, $0x585, v18;
	v19 =	vsel vm11, $0x883, v19;
	v20 =	vsel vm11, $0xB04, v20  }
0x30: {  	v21 =	vsel vm11, $0xD85, v21;
	v22 =	vnsel vm15, $0x286, v22;
	v23 =	vsel vm11, $0x307, v23  }
0x31: {  	v24 =	vsel vm11, $0x588, v24;
	v25 =	vsel vm11, $0x886, v25;
	v26 =	vsel vm11, $0xB07, v26  }
0x32: {  	v27 =	vsel vm11, $0xD88, v27;
	v28 =	vnsel vm15, $0x289, v28;
	v29 =	vsel vm11, $0x30A, v29  }
0x33: {  	s2 =	sor.u32 $0x1, s1;
	v30 =	vsel vm11, $0x58B, v30;
	v31 =	vsel vm11, $0x889, v31;
	v32 =	vsel vm11, $0xB0A, v32  }
0x34: {  	v33 =	vsel vm11, $0xD8B, v33;
	v1 =	vsel vm10, $0x1080, v2;
	v2 =	vmov s2  }
0x35: {  	v6 =	vsel vm10, $0x2300, v6;
	v7 =	vsel vm10, $0x302, v7;
	v8 =	vsel vm10, $0x600, v8  }
0x36: {  	v9 =	vsel vm10, $0x600, v9;
	v11 =	vsel vm10, $0x1880, v11;
	v10 =	vsel vm10, $0x881, v10  }
0x37: {  	v12 =	vsel vm10, $0x2B00, v12;
	v14 =	vsel vm10, $0xE00, v14;
	v15 =	vsel vm10, $0xE00, v15  }
0x38: {  	v16 =	vsel vm10, $0x84, v16;
	v17 =	vsel vm10, $0x305, v17;
	v18 =	vsel vm10, $0x603, v18  }
0x39: {  	v19 =	vsel vm10, $0x884, v19;
	v20 =	vsel vm10, $0xB05, v20;
	v21 =	vsel vm10, $0xE03, v21  }
0x3a: {  	v22 =	vsel vm10, $0x87, v22;
	v23 =	vsel vm10, $0x308, v23;
	v24 =	vsel vm10, $0x606, v24  }
0x3b: {  	v25 =	vsel vm10, $0x887, v25;
	v26 =	vsel vm10, $0xB08, v26;
	v27 =	vsel vm10, $0xE06, v27  }
0x3c: {  	v28 =	vsel vm10, $0x8A, v28;
	v29 =	vsel vm10, $0x30B, v29;
	v30 =	vsel vm10, $0x609, v30  }
0x3d: {  	v31 =	vsel vm10, $0x88A, v31;
	v32 =	vsel vm10, $0xB0B, v32;
	v33 =	vsel vm10, $0xE09, v33  }
0x3e: {  	v3 =	vsel vm9, $0x2080, v1;
	v1 =	vbroadcast v2, $0x0;
	v6 =	vsel vm9, $0x380, v6  }
0x3f: {  	v7 =	vsel vm9, $0x380, v7;
	v8 =	vsel vm9, $0x1600, v8;
	v9 =	vsel vm9, $0x601, v9  }
0x40: {  	v11 =	vsel vm9, $0x2880, v11;
	v10 =	vsel vm9, $0x882, v10;
	v12 =	vsel vm9, $0xB80, v12  }
0x41: {  	v14 =	vsel vm9, $0x1E00, v14;
	v15 =	vsel vm9, $0xE01, v15;
	v16 =	vsel vm9, $0x85, v16  }
0x42: {  	v17 =	vsel vm9, $0x383, v17;
	v18 =	vsel vm9, $0x604, v18;
	v19 =	vsel vm9, $0x885, v19  }
0x43: {  	v20 =	vsel vm9, $0xB83, v20;
	v21 =	vsel vm9, $0xE04, v21;
	v22 =	vsel vm9, $0x88, v22  }
0x44: {  	v23 =	vsel vm9, $0x386, v23;
	v24 =	vsel vm9, $0x607, v24;
	v25 =	vsel vm9, $0x888, v25  }
0x45: {  	v26 =	vsel vm9, $0xB86, v26;
	v27 =	vsel vm9, $0xE07, v27;
	v28 =	vsel vm9, $0x8B, v28  }
0x46: {  	v29 =	vsel vm9, $0x389, v29;
	v30 =	vsel vm9, $0x60A, v30;
	v31 =	vsel vm9, $0x88B, v31  }
0x47: {  	s1 =	sor.u32 $0x2, s1;
	v32 =	vsel vm9, $0xB89, v32;
	v33 =	vsel vm9, $0xE0A, v33;
	v2 =	vsel vm8, $0x100, v3  }
0x48: {  	v3 =	vmov s1;
	v6 =	vsel vm8, $0x1380, v6;
	v7 =	vsel vm8, $0x381, v7  }
0x49: {  	v8 =	vsel vm8, $0x2600, v8;
	v9 =	vsel vm8, $0x602, v9;
	v11 =	vsel vm8, $0x900, v11  }
0x4a: {  	v10 =	vsel vm8, $0x900, v10;
	v12 =	vsel vm8, $0x1B80, v12;
	v14 =	vsel vm8, $0x2E00, v14  }
0x4b: {  	v15 =	vsel vm8, $0xE02, v15;
	v16 =	vsel vm8, $0x103, v16;
	v17 =	vsel vm8, $0x384, v17  }
0x4c: {  	v18 =	vsel vm8, $0x605, v18;
	v19 =	vsel vm8, $0x903, v19;
	v20 =	vsel vm8, $0xB84, v20  }
0x4d: {  	v21 =	vsel vm8, $0xE05, v21;
	v22 =	vsel vm8, $0x106, v22;
	v23 =	vsel vm8, $0x387, v23  }
0x4e: {  	v24 =	vsel vm8, $0x608, v24;
	v25 =	vsel vm8, $0x906, v25;
	v26 =	vsel vm8, $0xB87, v26  }
0x4f: {  	v27 =	vsel vm8, $0xE08, v27;
	v28 =	vsel vm8, $0x109, v28;
	v29 =	vsel vm8, $0x38A, v29  }
0x50: {  	v30 =	vsel vm8, $0x60B, v30;
	v31 =	vsel vm8, $0x909, v31;
	v32 =	vsel vm8, $0xB8A, v32  }
0x51: {  	v33 =	vsel vm8, $0xE0B, v33;
	v4 =	vsel vm5, $0x1100, v2;
	v2 =	vbroadcast v3, $0x0  }
0x52: {  	v3 =	vimm.s32 $0x80020100;
	v6 =	vsel vm5, $0x2380, v6;
	v7 =	vsel vm5, $0x382, v7  }
0x53: {  	v8 =	vsel vm5, $0x680, v8;
	v9 =	vsel vm5, $0x680, v9;
	v11 =	vsel vm5, $0x1900, v11  }
0x54: {  	v10 =	vsel vm5, $0x901, v10;
	v12 =	vsel vm5, $0x2B80, v12;
	v14 =	vsel vm5, $0xE80, v14  }
0x55: {  	v15 =	vsel vm5, $0xE80, v15;
	v16 =	vsel vm5, $0x104, v16;
	v17 =	vsel vm5, $0x385, v17  }
0x56: {  	v18 =	vsel vm5, $0x683, v18;
	v19 =	vsel vm5, $0x904, v19;
	v20 =	vsel vm5, $0xB85, v20  }
0x57: {  	v21 =	vsel vm5, $0xE83, v21;
	v22 =	vsel vm5, $0x107, v22;
	v23 =	vsel vm5, $0x388, v23  }
0x58: {  	v24 =	vsel vm5, $0x686, v24;
	v25 =	vsel vm5, $0x907, v25;
	v26 =	vsel vm5, $0xB88, v26  }
0x59: {  	v27 =	vsel vm5, $0xE86, v27;
	v28 =	vsel vm5, $0x10A, v28;
	v29 =	vsel vm5, $0x38B, v29  }
0x5a: {  	v30 =	vsel vm5, $0x689, v30;
	v31 =	vsel vm5, $0x90A, v31;
	v32 =	vsel vm5, $0xB8B, v32  }
0x5b: {  	s25 =	sshllo.u32 s0, $0x2;
	v33 =	vsel vm5, $0xE89, v33;
	v4 =	vsel vm1, $0x2100, v4;
	v5 =	vunpack.c.0.s8.s32 v3  }
0x5c: {  	v3 =	vmov s25;
	v6 =	vsel vm1, $0x400, v6;
	v7 =	vsel vm1, $0x400, v7  }
0x5d: {  	v8 =	vsel vm1, $0x1680, v8;
	v9 =	vsel vm1, $0x681, v9;
	v11 =	vsel vm1, $0x2900, v11  }
0x5e: {  	v10 =	vsel vm1, $0x902, v10;
	v12 =	vsel vm1, $0xC00, v12;
	v14 =	vsel vm1, $0x1E80, v14  }
0x5f: {  	v15 =	vsel vm1, $0xE81, v15;
	v16 =	vsel vm1, $0x105, v16;
	v17 =	vsel vm1, $0x403, v17  }
0x60: {  	v18 =	vsel vm1, $0x684, v18;
	v19 =	vsel vm1, $0x905, v19;
	v20 =	vsel vm1, $0xC03, v20  }
0x61: {  	v21 =	vsel vm1, $0xE84, v21;
	v22 =	vsel vm1, $0x108, v22;
	v23 =	vsel vm1, $0x406, v23  }
0x62: {  	v24 =	vsel vm1, $0x687, v24;
	v25 =	vsel vm1, $0x908, v25;
	v26 =	vsel vm1, $0xC06, v26  }
0x63: {  	v27 =	vsel vm1, $0xE87, v27;
	v28 =	vsel vm1, $0x10B, v28;
	v29 =	vsel vm1, $0x409, v29  }
0x64: {  	v30 =	vsel vm1, $0x68A, v30;
	v31 =	vsel vm1, $0x90B, v31;
	v32 =	vsel vm1, $0xC09, v32  }
0x65: {  	v33 =	vsel vm1, $0xE8A, v33;
	v4 =	vsel vm0, $0x180, v4;
	v6 =	vsel vm0, $0x1400, v6  }
0x66: {  	v7 =	vsel vm0, $0x401, v7;
	v8 =	vsel vm0, $0x2680, v8;
	v9 =	vsel vm0, $0x682, v9  }
0x67: {  	v11 =	vsel vm0, $0x980, v11;
	v10 =	vsel vm0, $0x980, v10;
	v12 =	vsel vm0, $0x1C00, v12  }
0x68: {  	v14 =	vsel vm0, $0x2E80, v14;
	v15 =	vsel vm0, $0xE82, v15;
	v16 =	vsel vm0, $0x183, v16  }
0x69: {  	v17 =	vsel vm0, $0x404, v17;
	v18 =	vsel vm0, $0x685, v18;
	v19 =	vsel vm0, $0x983, v19  }
0x6a: {  	v20 =	vsel vm0, $0xC04, v20;
	v21 =	vsel vm0, $0xE85, v21;
	v22 =	vsel vm0, $0x186, v22  }
0x6b: {  	v23 =	vsel vm0, $0x407, v23;
	v24 =	vsel vm0, $0x688, v24;
	v25 =	vsel vm0, $0x986, v25  }
0x6c: {  	v26 =	vsel vm0, $0xC07, v26;
	v27 =	vsel vm0, $0xE88, v27;
	v28 =	vsel vm0, $0x189, v28  }
0x6d: {  	v29 =	vsel vm0, $0x40A, v29;
	v30 =	vsel vm0, $0x68B, v30;
	v31 =	vsel vm0, $0x989, v31  }
0x6e: {  	v32 =	vsel vm0, $0xC0A, v32;
	v33 =	vsel vm0, $0xE8B, v33;
	v5 =	vand.u32 $0xFF, v5  }
0x6f: {  	v4 =	vsel vm2, $0x1180, v4;
	v6 =	vsel vm2, $0x2400, v6;
	v7 =	vsel vm2, $0x402, v7  }
0x70: {  	v8 =	vsel vm2, $0x700, v8;
	v9 =	vsel vm2, $0x700, v9;
	v11 =	vsel vm2, $0x1980, v11  }
0x71: {  	v10 =	vsel vm2, $0x981, v10;
	v12 =	vsel vm2, $0x2C00, v12;
	v14 =	vsel vm2, $0xF00, v14  }
0x72: {  	v15 =	vsel vm2, $0xF00, v15;
	v16 =	vsel vm2, $0x184, v16;
	v17 =	vsel vm2, $0x405, v17  }
0x73: {  	v18 =	vsel vm2, $0x703, v18;
	v19 =	vsel vm2, $0x984, v19;
	v20 =	vsel vm2, $0xC05, v20  }
0x74: {  	v21 =	vsel vm2, $0xF03, v21;
	v22 =	vsel vm2, $0x187, v22;
	v23 =	vsel vm2, $0x408, v23  }
0x75: {  	v24 =	vsel vm2, $0x706, v24;
	v25 =	vsel vm2, $0x987, v25;
	v26 =	vsel vm2, $0xC08, v26  }
0x76: {  	v27 =	vsel vm2, $0xF06, v27;
	v28 =	vsel vm2, $0x18A, v28;
	v29 =	vsel vm2, $0x40B, v29  }
0x77: {  	v30 =	vsel vm2, $0x709, v30;
	v31 =	vsel vm2, $0x98A, v31;
	v32 =	vsel vm2, $0xC0B, v32  }
0x78: {  	v33 =	vsel vm2, $0xF09, v33;
	v5 =	vnsel vm15, $0x280, v5;
	v4 =	vsel vm3, $0x2180, v4  }
0x79: {  	v6 =	vsel vm3, $0x480, v6;
	v7 =	vsel vm3, $0x480, v7;
	v8 =	vsel vm3, $0x1700, v8  }
0x7a: {  	v9 =	vsel vm3, $0x701, v9;
	v11 =	vsel vm3, $0x2980, v11;
	v10 =	vsel vm3, $0x982, v10  }
0x7b: {  	v12 =	vsel vm3, $0xC80, v12;
	v14 =	vsel vm3, $0x1F00, v14;
	v15 =	vsel vm3, $0xF01, v15  }
0x7c: {  	v16 =	vsel vm3, $0x185, v16;
	v17 =	vsel vm3, $0x483, v17;
	v18 =	vsel vm3, $0x704, v18  }
0x7d: {  	v19 =	vsel vm3, $0x985, v19;
	v20 =	vsel vm3, $0xC83, v20;
	v21 =	vsel vm3, $0xF04, v21  }
0x7e: {  	v22 =	vsel vm3, $0x188, v22;
	v23 =	vsel vm3, $0x486, v23;
	v24 =	vsel vm3, $0x707, v24  }
0x7f: {  	v25 =	vsel vm3, $0x988, v25;
	v26 =	vsel vm3, $0xC86, v26;
	v27 =	vsel vm3, $0xF07, v27  }
0x80: {  	v28 =	vsel vm3, $0x18B, v28;
	v29 =	vsel vm3, $0x489, v29;
	v30 =	vsel vm3, $0x70A, v30  }
0x81: {  	v31 =	vsel vm3, $0x98B, v31;
	v32 =	vsel vm3, $0xC89, v32;
	v33 =	vsel vm3, $0xF0A, v33  }
0x82: {  	v5 =	vsel vm10, $0x81, v5;
	v4 =	vsel vm4, $0x200, v4;
	v6 =	vsel vm4, $0x1480, v6  }
0x83: {  	v7 =	vsel vm4, $0x481, v7;
	v8 =	vsel vm4, $0x2700, v8;
	v9 =	vsel vm4, $0x702, v9  }
0x84: {  	v11 =	vsel vm4, $0xA00, v11;
	v10 =	vsel vm4, $0xA00, v10;
	v12 =	vsel vm4, $0x1C80, v12  }
0x85: {  	v14 =	vsel vm4, $0x2F00, v14;
	v15 =	vsel vm4, $0xF02, v15;
	v16 =	vsel vm4, $0x203, v16  }
0x86: {  	v17 =	vsel vm4, $0x484, v17;
	v18 =	vsel vm4, $0x705, v18;
	v19 =	vsel vm4, $0xA03, v19  }
0x87: {  	v20 =	vsel vm4, $0xC84, v20;
	v21 =	vsel vm4, $0xF05, v21;
	v22 =	vsel vm4, $0x206, v22  }
0x88: {  	v23 =	vsel vm4, $0x487, v23;
	v24 =	vsel vm4, $0x708, v24;
	v25 =	vsel vm4, $0xA06, v25  }
0x89: {  	v26 =	vsel vm4, $0xC87, v26;
	v27 =	vsel vm4, $0xF08, v27;
	v28 =	vsel vm4, $0x209, v28  }
0x8a: {  	v29 =	vsel vm4, $0x48A, v29;
	v30 =	vsel vm4, $0x70B, v30;
	v31 =	vsel vm4, $0xA09, v31  }
0x8b: {  	v32 =	vsel vm4, $0xC8A, v32;
	v33 =	vsel vm4, $0xF0B, v33;
	v5 =	vsel vm9, $0x82, v5  }
0x8c: {  	v4 =	vsel vm6, $0x1200, v4;
	v6 =	vsel vm6, $0x2480, v6;
	v7 =	vsel vm6, $0x482, v7  }
0x8d: {  	v8 =	vsel vm6, $0x780, v8;
	v9 =	vsel vm6, $0x780, v9;
	v11 =	vsel vm6, $0x1A00, v11  }
0x8e: {  	v13 =	vsel vm6, $0xA01, v10;
	v12 =	vsel vm6, $0x2C80, v12;
	v14 =	vsel vm6, $0xF80, v14  }
0x8f: {  	v15 =	vsel vm6, $0xF80, v15;
	v16 =	vsel vm6, $0x204, v16;
	v17 =	vsel vm6, $0x485, v17  }
0x90: {  	v18 =	vsel vm6, $0x783, v18;
	v19 =	vsel vm6, $0xA04, v19;
	v20 =	vsel vm6, $0xC85, v20  }
0x91: {  	v21 =	vsel vm6, $0xF83, v21;
	v22 =	vsel vm6, $0x207, v22;
	v23 =	vsel vm6, $0x488, v23  }
0x92: {  	v24 =	vsel vm6, $0x786, v24;
	v25 =	vsel vm6, $0xA07, v25;
	v26 =	vsel vm6, $0xC88, v26  }
0x93: {  	v27 =	vsel vm6, $0xF86, v27;
	v28 =	vsel vm6, $0x20A, v28;
	v29 =	vsel vm6, $0x48B, v29  }
0x94: {  	v30 =	vsel vm6, $0x789, v30;
	v31 =	vsel vm6, $0xA0A, v31;
	v32 =	vsel vm6, $0xC8B, v32  }
0x95: {  	v33 =	vsel vm6, $0xF89, v33;
	v5 =	vsel vm8, $0x100, v5;
	v4 =	vsel vm7, $0x2200, v4  }
0x96: {  	s26 =	rddreg [dreg:$0x1];
	v6 =	vsel vm7, $0x500, v6;
	v7 =	vsel vm7, $0x500, v7;
	v8 =	vsel vm7, $0x1780, v8  }
0x97: {  	s4 =	rddreg [dreg:$0x2];
	s5 =	srdreg.scid;
	v10 =	vsel vm7, $0x2A00, v11;
	v11 =	vsel vm7, $0xA02, v13;
	v13 =	vimm.s32 $0xD01  }
0x98: {  	s3 =	simm.s32 $0x0;
	s29 =	simm.s32 $0x1080;
	s30 =	simm.s32 $0x2080;
	v9 =	vsel vm7, $0x781, v9;
	v12 =	vsel vm7, $0xD00, v12;
	v13 =	vsel vm14, $0xA81, v13  }
0x99: {  	[dreg:$0x4] =	wrdreg s26;
	s6 =	sshll.u32 s0, $0x4;
	s5 =	sand.u32 $0x1, s5;
	v14 =	vsel vm7, $0x1F80, v14;
	v15 =	vsel vm7, $0xF81, v15;
	v13 =	vsel vm13, $0xA82, v13  }
0x9a: {  	[smem:$0x7FF] =	sst s3;
	s4 =	sadd.s32 s6, s4;
	s7 =	sshll.u32 s5, $0xD;
	v16 =	vsel vm7, $0x205, v16;
	v17 =	vsel vm7, $0x503, v17;
	v13 =	vsel vm12, $0xB00, v13  }
0x9b: {  	s31 =	simm.s32 $0x4080;
	s4 =	sadd.s32 s7, s4;
	s2 =	rddreg [dreg:$0x3];
	v18 =	vsel vm7, $0x784, v18;
	v19 =	vsel vm7, $0xA05, v19;
	v13 =	vsel vm11, $0xB01, v13  }
0x9c: {  	s9 =	simm.s32 $0x5080;
	s7 =	sadd.s32 $0x400, s4;
	s1 =	rddreg [dreg:$0x0];
	v20 =	vsel vm7, $0xD03, v20;
	v21 =	vsel vm7, $0xF84, v21;
	v13 =	vsel vm10, $0xB02, v13  }
0x9d: {  	s10 =	simm.s32 $0x7080;
	_ =	strace $0x80000047;
	[dreg:$0x5] =	wrdreg s7;
	v22 =	vsel vm7, $0x208, v22;
	v23 =	vsel vm7, $0x506, v23;
	v13 =	vsel vm9, $0xB80, v13  }
0x9e: {  	s11 =	simm.s32 $0x8080;
	s12 =	simm.s32 $0xA080;
	[dreg:$0x6] =	wrdreg s29;
	v24 =	vsel vm7, $0x787, v24;
	v25 =	vsel vm7, $0xA08, v25;
	v13 =	vsel vm8, $0xB81, v13  }
0x9f: {  	s13 =	simm.s32 $0xB080;
	s28 =	ssub.s32 $0x2, s5;
	[dreg:$0x7] =	wrdreg s30;
	v26 =	vsel vm7, $0xD06, v26;
	v5 =	vsel vm5, $0x101, v5;
	v13 =	vsel vm5, $0xB82, v13  }
0xa0: {  	s15 =	simm.s32 $0x800;
	s8 =	sshrl.u32 s28, $0x1;
	[dreg:$0x8] =	wrdreg s31;
	v27 =	vsel vm7, $0xF87, v27;
	v5 =	vsel vm1, $0x102, v5;
	v13 =	vsel vm1, $0xC00, v13  }
0xa1: {  	s14 =	simm.s32 $0xC080;
	s6 =	ssub.s32 s28, s8;
	[dreg:$0x9] =	wrdreg s9;
	v28 =	vsel vm7, $0x20B, v28;
	v5 =	vsel vm0, $0x180, v5;
	v13 =	vsel vm0, $0xC01, v13  }
0xa2: {  	s4 =	smul.u32 $0x30E000, s5;
	s8 =	simm.s32 $0x400;
	[dreg:$0xa] =	wrdreg s10;
	v29 =	vsel vm7, $0x509, v29;
	v5 =	vsel vm2, $0x181, v5;
	v13 =	vsel vm2, $0xC02, v13  }
0xa3: {  	s5 =	smax.u32 s6, $0x1;
	s6 =	simm.s32 $0x2;
	[dreg:$0xb] =	wrdreg s11;
	v30 =	vsel vm7, $0x78A, v30;
	v5 =	vsel vm3, $0x182, v5;
	v13 =	vsel vm3, $0xC80, v13  }
0xa4: {  	s7 =	simm.s32 $0x1;
	s9 =	simm.s32 $0xC3800;
	[dreg:$0xc] =	wrdreg s12;
	v31 =	vsel vm7, $0xA0B, v31;
	v5 =	vsel vm4, $0x200, v5;
	v13 =	vsel vm4, $0xC81, v13  }
0xa5: {  	s10 =	simm.s32 $0x80;
	s11 =	simm.s32 $0x3080;
	[dreg:$0xd] =	wrdreg s13;
	v32 =	vsel vm7, $0xD09, v32;
	v5 =	vsel vm6, $0x201, v5;
	v13 =	vsel vm6, $0xC82, v13  }
0xa6: {  	s12 =	simm.s32 $0x6080;
	s13 =	simm.s32 $0x9080;
	[dreg:$0xe] =	wrdreg s15;
	v33 =	vsel vm7, $0xF8A, v33;
	v5 =	vsel vm7, $0x202, v5;
	v13 =	vsel vm7, $0xD00, v13  }
.LBB2_1:
0xa7: {  	s15 =	rddreg [dreg:$0x4]  }
0xa8: {  	[tilespmem:s3], [sflag:$0x2] =	stream.linear.gather [hbm4b:s15+s3], $0x80, $0x38;
	[tilespmem:$0xD080] =	vst v63  }
0xa9: {  	_ =	swait.ge [sflag:s6], $0x80  }
0xaa: {  	[sflag:s6] =	ssyncset.done $0x0  }
0xab: {  	[sflag:s6] =	ssyncadd.s32 $0xFFFFFF80  }
0xac: {  	v34 =	vld.idx.msk [tilespmem:v0+s3+$0x0], $0xffff;
	_ =	sdelay $0x4  }
0xad: {  	v34 =	vxor.u32 $0x80000000, v34  }
0xae: {  	(xrf0) =	vmax.scan.msk.u32 $0xffff, v34;
	_ =	sdelay $0x5  }
0xaf: {  	v34, _, _ =	vpop (xrf0)  }
0xb0: {  	(v2sf) =	vpush v34, $0xF;
	_ =	sdelay $0xe  }
0xb1: {  	s16 =	spop (v2sf)  }
0xb2: {  	s15 =	sxor.u32 $0x80000000, s16  }
0xb3: {  	p1 =	sgt.s32 s16, $0xFFFFFFFF;
	s16 =	sand.u32 $0x7F, s16;
	p0 =	slt.s32 s15, $0x1  }
0xb4: {  	s17 =	sshra.s32 s15, $0x1F;
	p3 =	sne.s32 s16, $0x0;
	p0 =	por p1, p0  }
0xb5: {  	s26 =	sshrl.u32 s17, $0x19;
	p0 =	por !p3, !p0  }
0xb6: {  	s17 =	simm.s32 $0x1;
	s16 =	sadd.s32 s26, s15;
	p0 =	por !p0, !p0  }
0xb7: {  	s16 =	sshra.s32 s16, $0x7;
	s17 =	simm.s32 @!p0 $0x0  }
0xb8: {  	s17 =	ssub.s32 s16, s17  }
0xb9: {  	s16 =	sshll.u32 s17, $0xA  }
0xba: {  	s16 =	sadd.s32 s4, s16  }
0xbb: {  	s16 =	sshrl.u32 s16, $0x3  }
0xbc: {  	s16 =	sadd.s32 s1, s16  }
0xbd: {  	[tilespmem:s10], [sflag:$0x1] =	stream.strided.gather [hbm4b:s16+s8], $0x1000, s9, s8, $0x38;
	[tilespmem:$0xD080] =	vst v63  }
0xbe: {  	s18 =	rddreg [dreg:$0x6];
	s19 =	sadd.s32 $0xC3800, s16  }
0xbf: {  	[tilespmem:s18], [sflag:$0x1] =	stream.strided.gather [hbm4b:s19+s8], $0x1000, s9, s8, $0x38;
	[tilespmem:$0xD080] =	vst v63  }
0xc0: {  	s20 =	rddreg [dreg:$0x7];
	s16 =	sadd.s32 $0x187000, s16  }
0xc1: {  	[tilespmem:s20], [sflag:$0x1] =	stream.strided.gather [hbm4b:s16+s8], $0x1000, s9, s8, $0x38;
	[tilespmem:$0xD080] =	vst v63  }
0xc2: {  	v38 =	vld.idx.msk [tilespmem:v1+s3+$0x0], $0xffff;
	_ =	sdelay $0x4  }
0xc3: {  	v34 =	vxor.u32 $0x80000000, v38  }
0xc4: {  	(xrf0) =	vmax.scan.msk.u32 $0xffff, v34;
	_ =	sdelay $0x5  }
0xc5: {  	v34, _, _ =	vpop (xrf0)  }
0xc6: {  	(v2sf) =	vpush v34, $0xF;
	_ =	sdelay $0xe  }
0xc7: {  	s28 =	spop (v2sf)  }
0xc8: {  	s16 =	sxor.u32 $0x80000000, s28  }
0xc9: {  	p5 =	sgt.s32 s28, $0xFFFFFFFF;
	s18 =	sand.u32 $0x7F, s28;
	p4 =	slt.s32 s16, $0x1  }
0xca: {  	s29 =	sshra.s32 s16, $0x1F;
	p6 =	sne.s32 s18, $0x0;
	p0 =	por p5, p4  }
0xcb: {  	s30 =	sshrl.u32 s29, $0x19;
	p0 =	por !p6, !p0  }
0xcc: {  	s19 =	simm.s32 $0x1;
	s18 =	sadd.s32 s30, s16;
	p0 =	por !p0, !p0  }
0xcd: {  	s18 =	sshra.s32 s18, $0x7;
	s19 =	simm.s32 @!p0 $0x0  }
0xce: {  	s19 =	ssub.s32 s18, s19  }
0xcf: {  	s18 =	sshll.u32 s19, $0xA  }
0xd0: {  	s18 =	sadd.s32 s4, s18  }
0xd1: {  	s18 =	sshrl.u32 s18, $0x3  }
0xd2: {  	s18 =	sadd.s32 s1, s18  }
0xd3: {  	[tilespmem:s11], [sflag:$0x1] =	stream.strided.gather [hbm4b:s18+s8], $0x1000, s9, s8, $0x38;
	[tilespmem:$0xD080] =	vst v63  }
0xd4: {  	s31 =	rddreg [dreg:$0x8];
	s21 =	sadd.s32 $0xC3800, s18  }
0xd5: {  	[tilespmem:s31], [sflag:$0x1] =	stream.strided.gather [hbm4b:s21+s8], $0x1000, s9, s8, $0x38;
	[tilespmem:$0xD080] =	vst v63  }
0xd6: {  	s22 =	rddreg [dreg:$0x9];
	s18 =	sadd.s32 $0x187000, s18  }
0xd7: {  	[tilespmem:s22], [sflag:$0x1] =	stream.strided.gather [hbm4b:s18+s8], $0x1000, s9, s8, $0x38;
	[tilespmem:$0xD080] =	vst v63  }
0xd8: {  	v39 =	vld.idx.msk [tilespmem:v2+s3+$0x0], $0xffff;
	_ =	sdelay $0x4  }
0xd9: {  	v34 =	vxor.u32 $0x80000000, v39  }
0xda: {  	(xrf0) =	vmax.scan.msk.u32 $0xffff, v34;
	_ =	sdelay $0x5  }
0xdb: {  	v34, _, _ =	vpop (xrf0)  }
0xdc: {  	(v2sf) =	vpush v34, $0xF;
	_ =	sdelay $0xe  }
0xdd: {  	s23 =	spop (v2sf)  }
0xde: {  	s18 =	sxor.u32 $0x80000000, s23  }
0xdf: {  	p2 =	sgt.s32 s23, $0xFFFFFFFF;
	s20 =	sand.u32 $0x7F, s23;
	p1 =	slt.s32 s18, $0x1  }
0xe0: {  	s24 =	sshra.s32 s18, $0x1F;
	p3 =	sne.s32 s20, $0x0;
	p0 =	por p2, p1  }
0xe1: {  	s25 =	sshrl.u32 s24, $0x19;
	p0 =	por !p3, !p0  }
0xe2: {  	s21 =	simm.s32 $0x1;
	s20 =	sadd.s32 s25, s18;
	p0 =	por !p0, !p0  }
0xe3: {  	s20 =	sshra.s32 s20, $0x7;
	s21 =	simm.s32 @!p0 $0x0  }
0xe4: {  	s21 =	ssub.s32 s20, s21  }
0xe5: {  	s20 =	sshll.u32 s21, $0xA  }
0xe6: {  	s20 =	sadd.s32 s4, s20  }
0xe7: {  	s20 =	sshrl.u32 s20, $0x3  }
0xe8: {  	s20 =	sadd.s32 s1, s20  }
0xe9: {  	[tilespmem:s12], [sflag:$0x1] =	stream.strided.gather [hbm4b:s20+s8], $0x1000, s9, s8, $0x38;
	[tilespmem:$0xD080] =	vst v63  }
0xea: {  	s26 =	rddreg [dreg:$0xa];
	s23 =	sadd.s32 $0xC3800, s20  }
0xeb: {  	[tilespmem:s26], [sflag:$0x1] =	stream.strided.gather [hbm4b:s23+s8], $0x1000, s9, s8, $0x38;
	[tilespmem:$0xD080] =	vst v63  }
0xec: {  	s24 =	rddreg [dreg:$0xb];
	s20 =	sadd.s32 $0x187000, s20  }
0xed: {  	[tilespmem:s24], [sflag:$0x1] =	stream.strided.gather [hbm4b:s20+s8], $0x1000, s9, s8, $0x38;
	[tilespmem:$0xD080] =	vst v63  }
0xee: {  	v40 =	vld.idx.msk [tilespmem:v3+s3+$0x0], $0xffff;
	_ =	sdelay $0x4  }
0xef: {  	v34 =	vxor.u32 $0x80000000, v40  }
0xf0: {  	(xrf0) =	vmax.scan.msk.u32 $0xffff, v34;
	_ =	sdelay $0x5  }
0xf1: {  	v34, _, _ =	vpop (xrf0)  }
0xf2: {  	(v2sf) =	vpush v34, $0xF;
	_ =	sdelay $0xe  }
0xf3: {  	s28 =	spop (v2sf)  }
0xf4: {  	s20 =	sxor.u32 $0x80000000, s28  }
0xf5: {  	p5 =	sgt.s32 s28, $0xFFFFFFFF;
	s22 =	sand.u32 $0x7F, s28;
	p4 =	slt.s32 s20, $0x1  }
0xf6: {  	s29 =	sshra.s32 s20, $0x1F;
	p6 =	sne.s32 s22, $0x0;
	p0 =	por p5, p4  }
0xf7: {  	s30 =	sshrl.u32 s29, $0x19;
	p0 =	por !p6, !p0  }
0xf8: {  	s23 =	simm.s32 $0x1;
	s22 =	sadd.s32 s30, s20;
	p0 =	por !p0, !p0  }
0xf9: {  	s22 =	sshra.s32 s22, $0x7;
	s23 =	simm.s32 @!p0 $0x0  }
0xfa: {  	s22 =	ssub.s32 s22, s23  }
0xfb: {  	s23 =	sshll.u32 s22, $0xA  }
0xfc: {  	s23 =	sadd.s32 s4, s23  }
0xfd: {  	s23 =	sshrl.u32 s23, $0x3  }
0xfe: {  	s23 =	sadd.s32 s1, s23  }
0xff: {  	[tilespmem:s13], [sflag:$0x1] =	stream.strided.gather [hbm4b:s23+s8], $0x1000, s9, s8, $0x38;
	[tilespmem:$0xD080] =	vst v63  }
0x100: {  	s31 =	rddreg [dreg:$0xc];
	s25 =	sadd.s32 $0xC3800, s23  }
0x101: {  	[tilespmem:s31], [sflag:$0x1] =	stream.strided.gather [hbm4b:s25+s8], $0x1000, s9, s8, $0x38;
	[tilespmem:$0xD080] =	vst v63  }
0x102: {  	s26 =	rddreg [dreg:$0xd];
	s23 =	sadd.s32 $0x187000, s23  }
0x103: {  	[tilespmem:s26], [sflag:$0x1] =	stream.strided.gather [hbm4b:s23+s8], $0x1000, s9, s8, $0x38;
	[tilespmem:$0xD080] =	vst v63  }
0x104: {  	_ =	swait.ge [sflag:s7], $0x3000  }
0x105: {  	[sflag:s7] =	ssyncset.done $0x0  }
0x106: {  	[sflag:s7] =	ssyncadd.s32 $0xFFFFD000  }
0x107: {  	_ =	swait.ge [sflag:s7], $0x3000  }
0x108: {  	[sflag:s7] =	ssyncset.done $0x0  }
0x109: {  	s17 =	sshll.u32 s17, $0x7;
	[sflag:s7] =	ssyncadd.s32 $0xFFFFD000  }
0x10a: {  	s15 =	ssub.s32 s15, s17;
	_ =	swait.ge [sflag:s7], $0x3000  }
0x10b: {  	v41 =	vadd.s32 s15, v4;
	[sflag:s7] =	ssyncset.done $0x0  }
0x10c: {  	[sflag:s7] =	ssyncadd.s32 $0xFFFFD000  }
0x10d: {  	_ =	swait.ge [sflag:s7], $0x3000  }
0x10e: {  	[sflag:s7] =	ssyncset.done $0x0  }
0x10f: {  	[sflag:s7] =	ssyncadd.s32 $0xFFFFD000  }
0x110: {  	v34 =	vld.idx.msk [tilespmem:v41+s10+$0x0], $0xffff  }
0x111: {  	v35 =	vadd.s32 s15, v6;
	_ =	sdelay $0x3  }
0x112: {  	[tilespmem:v5+s14+$0x0] =	vst.idx.msk $0xffff, v34  }
0x113: {  	v34 =	vld.idx.msk [tilespmem:v35+s10+$0x0], $0xffff  }
0x114: {  	v42 =	vadd.s32 s15, v8;
	_ =	sdelay $0x3  }
0x115: {  	[tilespmem:v7+s14+$0x0] =	vst.idx.msk $0xffff, v34  }
0x116: {  	v34 =	vld.idx.msk [tilespmem:v42+s10+$0x0], $0xffff  }
0x117: {  	v43 =	vadd.s32 s15, v10;
	_ =	sdelay $0x3  }
0x118: {  	[tilespmem:v9+s14+$0x0] =	vst.idx.msk $0xffff, v34  }
0x119: {  	v34 =	vld.idx.msk [tilespmem:v43+s10+$0x0], $0xffff  }
0x11a: {  	v44 =	vadd.s32 s15, v12;
	_ =	sdelay $0x3  }
0x11b: {  	[tilespmem:v11+s14+$0x0] =	vst.idx.msk $0xffff, v34  }
0x11c: {  	v34 =	vld.idx.msk [tilespmem:v44+s10+$0x0], $0xffff  }
0x11d: {  	v45 =	vadd.s32 s15, v14;
	_ =	sdelay $0x3  }
0x11e: {  	s26 =	sshll.u32 s19, $0x7;
	[tilespmem:v13+s14+$0x0] =	vst.idx.msk $0xffff, v34  }
0x11f: {  	s15 =	ssub.s32 s16, s26;
	v34 =	vld.idx.msk [tilespmem:v45+s10+$0x0], $0xffff  }
0x120: {  	v46 =	vadd.s32 s15, v4;
	_ =	sdelay $0x3  }
0x121: {  	[tilespmem:v15+s14+$0x0] =	vst.idx.msk $0xffff, v34  }
0x122: {  	v34 =	vld.idx.msk [tilespmem:v46+s11+$0x0], $0xffff  }
0x123: {  	v47 =	vadd.s32 s15, v6;
	_ =	sdelay $0x3  }
0x124: {  	[tilespmem:v16+s14+$0x0] =	vst.idx.msk $0xffff, v34  }
0x125: {  	v34 =	vld.idx.msk [tilespmem:v47+s11+$0x0], $0xffff  }
0x126: {  	v48 =	vadd.s32 s15, v8;
	_ =	sdelay $0x3  }
0x127: {  	[tilespmem:v17+s14+$0x0] =	vst.idx.msk $0xffff, v34  }
0x128: {  	v34 =	vld.idx.msk [tilespmem:v48+s11+$0x0], $0xffff  }
0x129: {  	v49 =	vadd.s32 s15, v10;
	_ =	sdelay $0x3  }
0x12a: {  	[tilespmem:v18+s14+$0x0] =	vst.idx.msk $0xffff, v34  }
0x12b: {  	v34 =	vld.idx.msk [tilespmem:v49+s11+$0x0], $0xffff  }
0x12c: {  	v50 =	vadd.s32 s15, v12;
	_ =	sdelay $0x3  }
0x12d: {  	[tilespmem:v19+s14+$0x0] =	vst.idx.msk $0xffff, v34  }
0x12e: {  	v34 =	vld.idx.msk [tilespmem:v50+s11+$0x0], $0xffff  }
0x12f: {  	v51 =	vadd.s32 s15, v14;
	_ =	sdelay $0x3  }
0x130: {  	s28 =	sshll.u32 s21, $0x7;
	[tilespmem:v20+s14+$0x0] =	vst.idx.msk $0xffff, v34  }
0x131: {  	s15 =	ssub.s32 s18, s28;
	v34 =	vld.idx.msk [tilespmem:v51+s11+$0x0], $0xffff  }
0x132: {  	v52 =	vadd.s32 s15, v4;
	_ =	sdelay $0x3  }
0x133: {  	[tilespmem:v21+s14+$0x0] =	vst.idx.msk $0xffff, v34  }
0x134: {  	v34 =	vld.idx.msk [tilespmem:v52+s12+$0x0], $0xffff  }
0x135: {  	v53 =	vadd.s32 s15, v6;
	_ =	sdelay $0x3  }
0x136: {  	[tilespmem:v22+s14+$0x0] =	vst.idx.msk $0xffff, v34  }
0x137: {  	v34 =	vld.idx.msk [tilespmem:v53+s12+$0x0], $0xffff  }
0x138: {  	v54 =	vadd.s32 s15, v8;
	_ =	sdelay $0x3  }
0x139: {  	[tilespmem:v23+s14+$0x0] =	vst.idx.msk $0xffff, v34  }
0x13a: {  	v34 =	vld.idx.msk [tilespmem:v54+s12+$0x0], $0xffff  }
0x13b: {  	v55 =	vadd.s32 s15, v10;
	_ =	sdelay $0x3  }
0x13c: {  	[tilespmem:v24+s14+$0x0] =	vst.idx.msk $0xffff, v34  }
0x13d: {  	v34 =	vld.idx.msk [tilespmem:v55+s12+$0x0], $0xffff  }
0x13e: {  	v56 =	vadd.s32 s15, v12;
	_ =	sdelay $0x3  }
0x13f: {  	[tilespmem:v25+s14+$0x0] =	vst.idx.msk $0xffff, v34  }
0x140: {  	v34 =	vld.idx.msk [tilespmem:v56+s12+$0x0], $0xffff  }
0x141: {  	v57 =	vadd.s32 s15, v14;
	_ =	sdelay $0x3  }
0x142: {  	s29 =	sshll.u32 s22, $0x7;
	[tilespmem:v26+s14+$0x0] =	vst.idx.msk $0xffff, v34  }
0x143: {  	s15 =	ssub.s32 s20, s29;
	v34 =	vld.idx.msk [tilespmem:v57+s12+$0x0], $0xffff  }
0x144: {  	v58 =	vadd.s32 s15, v4;
	_ =	sdelay $0x3  }
0x145: {  	[tilespmem:v27+s14+$0x0] =	vst.idx.msk $0xffff, v34  }
0x146: {  	v34 =	vld.idx.msk [tilespmem:v58+s13+$0x0], $0xffff  }
0x147: {  	v59 =	vadd.s32 s15, v6;
	_ =	sdelay $0x3  }
0x148: {  	[tilespmem:v28+s14+$0x0] =	vst.idx.msk $0xffff, v34  }
0x149: {  	v34 =	vld.idx.msk [tilespmem:v59+s13+$0x0], $0xffff  }
0x14a: {  	v60 =	vadd.s32 s15, v8;
	_ =	sdelay $0x3  }
0x14b: {  	[tilespmem:v29+s14+$0x0] =	vst.idx.msk $0xffff, v34  }
0x14c: {  	v34 =	vld.idx.msk [tilespmem:v60+s13+$0x0], $0xffff  }
0x14d: {  	v61 =	vadd.s32 s15, v10;
	_ =	sdelay $0x3  }
0x14e: {  	[tilespmem:v30+s14+$0x0] =	vst.idx.msk $0xffff, v34  }
0x14f: {  	v34 =	vld.idx.msk [tilespmem:v61+s13+$0x0], $0xffff  }
0x150: {  	v62 =	vadd.s32 s15, v12;
	_ =	sdelay $0x3  }
0x151: {  	[tilespmem:v31+s14+$0x0] =	vst.idx.msk $0xffff, v34  }
0x152: {  	v34 =	vld.idx.msk [tilespmem:v62+s13+$0x0], $0xffff  }
0x153: {  	v63 =	vadd.s32 s15, v14;
	_ =	sdelay $0x3  }
0x154: {  	[tilespmem:v32+s14+$0x0] =	vst.idx.msk $0xffff, v34  }
0x155: {  	v34 =	vld.idx.msk [tilespmem:v63+s13+$0x0], $0xffff;
	_ =	sdelay $0x3  }
0x156: {  	p0 =	sne.s32 s5, $0x1;
	s30 =	rddreg [dreg:$0x5]  }
.Ltmp0:
0x157: {  	s31 =	rddreg [dreg:$0xe];
	[tilespmem:v33+s14+$0x0] =	vst.idx.msk $0xffff, v34;
	(pc) =	sbr.rel @p0 .LBB2_1-.Ltmp0, $4  }
0x158: {  	[hbm4b:s30+s10] =	stream.strided.scatter [tilespmem:s14], [sflag:$0x2], $0x1000, s31, s10, $0x38;
	[tilespmem:$0xD080] =	vst v63  }
0x159: {  	_ =	swait.ge [sflag:s6], $0x1000  }
0x15a: {  	[sflag:s6] =	ssyncset.done $0x0  }
0x15b: {  	s5 =	sadd.s32 $0xFFFFFFFF, s5;
	[sflag:s6] =	ssyncadd.s32 $0xFFFFF000  }
0x15c: {  	_ =	sfence.sel $0x180000  }
0x15d: {  	[bflag:$0x0] =	sbarrier.arrive $0xFFFF  }
0x15e: {  	p0 =	sne.s32 s0, $0x0;
	_ =	strace $0x90000047  }
0x15f: {  	s0 =	sadd.s32 @!p0 $0x100000, s2;
	[bflag:$0x2] =	sbarrier.arrive $0xFFFF  }
0x160: {  	[sflag:s0] =	ssyncadd.tile.s32 @!p0 $0x1;
	_ =	shalt  }
.Lfunc_end2:
_tile_overlayer_lowered:
.L_overlay_start_2:
0x161: {  	(tag) =	ssettag $0x2  }
0x162: {  	s0 =	rddreg [dreg:$0x0];
	s2 =	stileid.u32  }
0x163: {  	s1 =	rddreg [dreg:$0x1];
	p0 =	sne.s32 s2, $0x0  }
0x164: {  	s3 =	rddreg [dreg:$0x2];
	[bflag:$0x3] =	sbarrier.arrive $0xFFFF;
	s2 =	simm.s32 @!p0 $0x1C02  }
0x165: {  	[timem:s3], [sflag:s2] =	dma.local @!p0 [hbm:s0], s1  }
0x166: {  	s0 =	simm.s32 @!p0 $0x2  }
0x167: {  	_ =	swait.ge @!p0 [sflag:s0], s1  }
0x168: {  	s1 =	ssub.s32 @!p0 $0x0, s1;
	[sflag:s0] =	ssyncset.done @!p0 $0x0  }
0x169: {  	[sflag:s0] =	ssyncadd.s32 @!p0 s1  }
0x16a: {  	[bflag:$0x3] =	sbarrier.arrive $0xFFFF  }
0x16b: {  	_ =	shalt  }

</sc_bundles>
